<compile_context>
chip_gen: v7x
topology: tpu7x:2x2x1
jax: 0.10.2.dev20260603
libtpu: 0.0.44.dev20260713+nightly
codegen_flags: <defaults>
</compile_context>

<pallas_src>
import functools
import jax
import jax.numpy as jnp
from jax import lax
from jax.experimental import pallas as pl
from jax.experimental.pallas import tpu as pltpu
from jax.experimental.pallas import tpu_sc as plsc

BATCH = 1024
SEQ = 512
D = 512
NTOK = BATCH * SEQ
NC, NS = 2, 16
NW = NC * NS
PER_W = NTOK // NW
CHUNK = 96
NFULL = 170
TAIL = PER_W - NFULL * CHUNK


def _embed_body(tok_hbm, table_hbm, out_hbm, idx_v, buf0, buf1, g0, g1, o0, o1):
    wid = lax.axis_index("s") * NC + lax.axis_index("c")
    base = wid * PER_W
    pltpu.sync_copy(tok_hbm.at[wid], idx_v)

    bufs = (buf0, buf1)
    gsems = (g0, g1)
    osems = (o0, o1)

    def gather(c, b):
        return pltpu.make_async_copy(
            table_hbm.at[idx_v.at[pl.ds(c * CHUNK, CHUNK)]], bufs[b], gsems[b])

    def out_copy(c, b):
        return pltpu.make_async_copy(
            bufs[b], out_hbm.at[pl.ds(base + c * CHUNK, CHUNK)], osems[b])

    gather(0, 0).start()
    gather(0, 0).wait()
    out_copy(0, 0).start()
    gather(1, 1).start()
    gather(1, 1).wait()
    out_copy(1, 1).start()
    out_copy(0, 0).wait()
    gather(2, 0).start()

    @pl.loop(1, NFULL // 2 - 1)
    def _(p):
        c = 2 * p
        gather(c, 0).wait()
        out_copy(c, 0).start()
        out_copy(c - 1, 1).wait()
        gather(c + 1, 1).start()
        gather(c + 1, 1).wait()
        out_copy(c + 1, 1).start()
        out_copy(c, 0).wait()
        gather(c + 2, 0).start()

    c = NFULL - 2
    gather(c, 0).wait()
    out_copy(c, 0).start()
    out_copy(c - 1, 1).wait()
    gather(c + 1, 1).start()
    gather(c + 1, 1).wait()
    out_copy(c + 1, 1).start()
    out_copy(c, 0).wait()
    tail_g = pltpu.make_async_copy(
        table_hbm.at[idx_v.at[pl.ds(NFULL * CHUNK, TAIL)]],
        buf0.at[pl.ds(0, TAIL)], gsems[0])
    tail_o = pltpu.make_async_copy(
        buf0.at[pl.ds(0, TAIL)],
        out_hbm.at[pl.ds(base + NFULL * CHUNK, TAIL)], osems[0])
    tail_g.start()
    tail_g.wait()
    tail_o.start()
    out_copy(c + 1, 1).wait()
    tail_o.wait()


@jax.jit
def _embed(tok, table):
    run = functools.partial(
        pl.kernel,
        out_type=jax.ShapeDtypeStruct((NTOK, D), jnp.float32),
        mesh=plsc.VectorSubcoreMesh(
            core_axis_name="c", subcore_axis_name="s",
            num_cores=NC, num_subcores=NS),
        scratch_types=[
            pltpu.VMEM((PER_W,), jnp.int32),
            pltpu.VMEM((CHUNK, D), jnp.float32),
            pltpu.VMEM((CHUNK, D), jnp.float32),
            pltpu.SemaphoreType.DMA,
            pltpu.SemaphoreType.DMA,
            pltpu.SemaphoreType.DMA,
            pltpu.SemaphoreType.DMA,
        ],
    )(_embed_body)
    return run(tok, table)


def kernel(tokens, table):
    tok = tokens.astype(jnp.int32).reshape(NW, PER_W)
    out = _embed(tok, table)
    return out.reshape(BATCH, SEQ, D)

# --- scband reference (transcript-rebuilt; emitter-appended) ---
"""Pipeline reference for scband-text-tokenizer-23476291240383 (READ-ONLY COPY).

The authoritative reference and input builder live on the scoring server;
editing this copy changes nothing except your own understanding.
"""

import jax, jax.numpy as jnp
import numpy as np

VOCAB = 50265
EMBED_DIM = 512
BATCH = 1024
SEQ = 512


def setup_inputs(seed: int = 0) -> dict:
    key = jax.random.key(seed)
    k1, k2 = jax.random.split(key)
    tokens = jax.random.randint(k1, (BATCH, SEQ), 0, VOCAB)
    # nn.Embedding default init: N(0, 1) (initialize_weights only touches Linear/Norm layers)
    table = jax.random.normal(k2, (VOCAB, EMBED_DIM), dtype=jnp.float32)
    return {"tokens": tokens, "table": table}


def reference(tokens, table):
    # TextTokenizer.tokenize core computation: embedding lookup of token ids
    # (padding/truncation to max_length already reflected in fixed SEQ dim)
    embeddings = jnp.take(table, tokens, axis=0)  # [B, S, 512]
    return embeddings

if __name__ == "__main__":
    import jax
    _d = setup_inputs()
    print(jax.jit(kernel)(*tuple(_d.values())))

</pallas_src>

<mosaic_0001>
#map = affine_map<(d0, d1) -> (0, 0)>
module attributes {stable_mosaic.version = 14 : i64} {
  func.func @_embed_body(%arg0: i32, %arg1: i32, %arg2: memref<32x16384xi32, #tpu.memory_space<hbm>>, %arg3: memref<50265x512xf32, #tpu.memory_space<hbm>>, %arg4: memref<524288x512xf32, #tpu.memory_space<hbm>>, %arg5: memref<16384xi32, #tpu.memory_space<vmem>>, %arg6: memref<96x512xf32, #tpu.memory_space<vmem>>, %arg7: memref<96x512xf32, #tpu.memory_space<vmem>>, %arg8: memref<!tpu.dma_semaphore, #tpu.memory_space<semaphore_mem>>, %arg9: memref<!tpu.dma_semaphore, #tpu.memory_space<semaphore_mem>>, %arg10: memref<!tpu.dma_semaphore, #tpu.memory_space<semaphore_mem>>, %arg11: memref<!tpu.dma_semaphore, #tpu.memory_space<semaphore_mem>>) attributes {dimension_semantics = [#tpu.dimension_semantics<core_parallel>, #tpu.dimension_semantics<subcore_parallel>], iteration_bounds = array<i64: 2, 16>, scalar_prefetch = 0 : i64, scratch_operands = 7 : i64, tpu.core_type = #tpu.core_type<sc_vector_subcore>, window_params = [{transform_indices = #map}, {transform_indices = #map}, {transform_indices = #map}]} {
    %mul3A = arith.constant 2 : i32
    %mul3A_0 = arith.muli %arg1, %mul3A : i32
    %add3A = arith.addi %mul3A_0, %arg0 : i32
    %mul3A_1 = arith.constant 16384 : i32
    %mul3A_2 = arith.muli %add3A, %mul3A_1 : i32
    "tpu.region"() ({
      %run_scoped3A = tpu.sem_alloc : memref<!tpu.dma_semaphore, #tpu.memory_space<semaphore_mem>>
      %dma_start3A_131 = arith.constant 0 : i32
      %dma_start3A_132 = tpu.memref_slice %arg2[%add3A, %dma_start3A_131] : memref<32x16384xi32, #tpu.memory_space<hbm>> -> memref<1x16384xi32, #tpu.memory_space<hbm>>
      %dma_start3A_133 = tpu.memref_squeeze %dma_start3A_132 : memref<1x16384xi32, #tpu.memory_space<hbm>> -> memref<16384xi32, #tpu.memory_space<hbm>>
      %dma_start3A_134 = arith.constant 0 : i32
      %dma_start3A_135 = tpu.memref_slice %arg2[%add3A, %dma_start3A_134] : memref<32x16384xi32, #tpu.memory_space<hbm>> -> memref<1x16384xi32, #tpu.memory_space<hbm>>
      %dma_start3A_136 = tpu.memref_squeeze %dma_start3A_135 : memref<1x16384xi32, #tpu.memory_space<hbm>> -> memref<16384xi32, #tpu.memory_space<hbm>>
      tpu.enqueue_dma source(%dma_start3A_136 : memref<16384xi32, #tpu.memory_space<hbm>>) target(%arg5 : memref<16384xi32, #tpu.memory_space<vmem>>) target_semaphore(%run_scoped3A : memref<!tpu.dma_semaphore, #tpu.memory_space<semaphore_mem>>)
      %dma_wait3A_137 = arith.constant 0 : i32
      %dma_wait3A_138 = tpu.memref_slice %arg2[%add3A, %dma_wait3A_137] : memref<32x16384xi32, #tpu.memory_space<hbm>> -> memref<1x16384xi32, #tpu.memory_space<hbm>>
      %dma_wait3A_139 = tpu.memref_squeeze %dma_wait3A_138 : memref<1x16384xi32, #tpu.memory_space<hbm>> -> memref<16384xi32, #tpu.memory_space<hbm>>
      %dma_wait3A_140 = arith.constant 0 : i32
      %dma_wait3A_141 = tpu.memref_slice %arg2[%add3A, %dma_wait3A_140] : memref<32x16384xi32, #tpu.memory_space<hbm>> -> memref<1x16384xi32, #tpu.memory_space<hbm>>
      %dma_wait3A_142 = tpu.memref_squeeze %dma_wait3A_141 : memref<1x16384xi32, #tpu.memory_space<hbm>> -> memref<16384xi32, #tpu.memory_space<hbm>>
      tpu.wait_dma2 semaphore(%run_scoped3A : memref<!tpu.dma_semaphore, #tpu.memory_space<semaphore_mem>>) src(%dma_wait3A_142 : memref<16384xi32, #tpu.memory_space<hbm>>) dst(%arg5 : memref<16384xi32, #tpu.memory_space<vmem>>)
      tpu.yield
    }) : () -> ()
    %dma_start3A = arith.constant 0 : i32
    %dma_start3A_3 = tpu.memref_slice %arg5[%dma_start3A] : memref<16384xi32, #tpu.memory_space<vmem>> -> memref<96xi32, #tpu.memory_space<vmem>>
    %dma_start3A_4 = arith.constant 0 : i32
    %dma_start3A_5 = arith.constant 0 : i32
    %dma_start3A_6 = tpu.memref_slice %arg3[%dma_start3A_4, %dma_start3A_5] : memref<50265x512xf32, #tpu.memory_space<hbm>> -> memref<50265x512xf32, #tpu.memory_space<hbm>>
    tpu.enqueue_indirect_dma source(%dma_start3A_6 : memref<50265x512xf32, #tpu.memory_space<hbm>>) target(%arg6 : memref<96x512xf32, #tpu.memory_space<vmem>>) offsets(%dma_start3A_3 : memref<96xi32, #tpu.memory_space<vmem>>) semaphore(%arg8 : memref<!tpu.dma_semaphore, #tpu.memory_space<semaphore_mem>>)
    %dma_wait3A = arith.constant 0 : i32
    %dma_wait3A_7 = tpu.memref_slice %arg5[%dma_wait3A] : memref<16384xi32, #tpu.memory_space<vmem>> -> memref<96xi32, #tpu.memory_space<vmem>>
    %dma_wait3A_8 = arith.constant 0 : i32
    %dma_wait3A_9 = arith.constant 0 : i32
    %dma_wait3A_10 = tpu.memref_slice %arg3[%dma_wait3A_8, %dma_wait3A_9] : memref<50265x512xf32, #tpu.memory_space<hbm>> -> memref<50265x512xf32, #tpu.memory_space<hbm>>
    tpu.wait_indirect_dma semaphore(%arg8 : memref<!tpu.dma_semaphore, #tpu.memory_space<semaphore_mem>>) src(%dma_wait3A_10 : memref<50265x512xf32, #tpu.memory_space<hbm>>) dst(%arg6 : memref<96x512xf32, #tpu.memory_space<vmem>>)
    %add3A_11 = arith.constant 0 : i32
    %add3A_12 = arith.addi %mul3A_2, %add3A_11 : i32
    %dma_start3A_13 = arith.constant 0 : i32
    %dma_start3A_14 = tpu.memref_slice %arg4[%add3A_12, %dma_start3A_13] : memref<524288x512xf32, #tpu.memory_space<hbm>> -> memref<96x512xf32, #tpu.memory_space<hbm>>
    %dma_start3A_15 = arith.constant 0 : i32
    %dma_start3A_16 = tpu.memref_slice %arg4[%add3A_12, %dma_start3A_15] : memref<524288x512xf32, #tpu.memory_space<hbm>> -> memref<96x512xf32, #tpu.memory_space<hbm>>
    tpu.enqueue_dma source(%arg6 : memref<96x512xf32, #tpu.memory_space<vmem>>) target(%dma_start3A_16 : memref<96x512xf32, #tpu.memory_space<hbm>>) target_semaphore(%arg10 : memref<!tpu.dma_semaphore, #tpu.memory_space<semaphore_mem>>)
    %dma_start3A_17 = arith.constant 96 : i32
    %dma_start3A_18 = tpu.memref_slice %arg5[%dma_start3A_17] : memref<16384xi32, #tpu.memory_space<vmem>> -> memref<96xi32, #tpu.memory_space<vmem>>
    %dma_start3A_19 = arith.constant 0 : i32
    %dma_start3A_20 = arith.constant 0 : i32
    %dma_start3A_21 = tpu.memref_slice %arg3[%dma_start3A_19, %dma_start3A_20] : memref<50265x512xf32, #tpu.memory_space<hbm>> -> memref<50265x512xf32, #tpu.memory_space<hbm>>
    tpu.enqueue_indirect_dma source(%dma_start3A_21 : memref<50265x512xf32, #tpu.memory_space<hbm>>) target(%arg7 : memref<96x512xf32, #tpu.memory_space<vmem>>) offsets(%dma_start3A_18 : memref<96xi32, #tpu.memory_space<vmem>>) semaphore(%arg9 : memref<!tpu.dma_semaphore, #tpu.memory_space<semaphore_mem>>)
    %dma_wait3A_22 = arith.constant 96 : i32
    %dma_wait3A_23 = tpu.memref_slice %arg5[%dma_wait3A_22] : memref<16384xi32, #tpu.memory_space<vmem>> -> memref<96xi32, #tpu.memory_space<vmem>>
    %dma_wait3A_24 = arith.constant 0 : i32
    %dma_wait3A_25 = arith.constant 0 : i32
    %dma_wait3A_26 = tpu.memref_slice %arg3[%dma_wait3A_24, %dma_wait3A_25] : memref<50265x512xf32, #tpu.memory_space<hbm>> -> memref<50265x512xf32, #tpu.memory_space<hbm>>
    tpu.wait_indirect_dma semaphore(%arg9 : memref<!tpu.dma_semaphore, #tpu.memory_space<semaphore_mem>>) src(%dma_wait3A_26 : memref<50265x512xf32, #tpu.memory_space<hbm>>) dst(%arg7 : memref<96x512xf32, #tpu.memory_space<vmem>>)
    %add3A_27 = arith.constant 96 : i32
    %add3A_28 = arith.addi %mul3A_2, %add3A_27 : i32
    %dma_start3A_29 = arith.constant 0 : i32
    %dma_start3A_30 = tpu.memref_slice %arg4[%add3A_28, %dma_start3A_29] : memref<524288x512xf32, #tpu.memory_space<hbm>> -> memref<96x512xf32, #tpu.memory_space<hbm>>
    %dma_start3A_31 = arith.constant 0 : i32
    %dma_start3A_32 = tpu.memref_slice %arg4[%add3A_28, %dma_start3A_31] : memref<524288x512xf32, #tpu.memory_space<hbm>> -> memref<96x512xf32, #tpu.memory_space<hbm>>
    tpu.enqueue_dma source(%arg7 : memref<96x512xf32, #tpu.memory_space<vmem>>) target(%dma_start3A_32 : memref<96x512xf32, #tpu.memory_space<hbm>>) target_semaphore(%arg11 : memref<!tpu.dma_semaphore, #tpu.memory_space<semaphore_mem>>)
    %add3A_33 = arith.constant 0 : i32
    %add3A_34 = arith.addi %mul3A_2, %add3A_33 : i32
    %dma_wait3A_35 = arith.constant 0 : i32
    %dma_wait3A_36 = tpu.memref_slice %arg4[%add3A_34, %dma_wait3A_35] : memref<524288x512xf32, #tpu.memory_space<hbm>> -> memref<96x512xf32, #tpu.memory_space<hbm>>
    %dma_wait3A_37 = arith.constant 0 : i32
    %dma_wait3A_38 = tpu.memref_slice %arg4[%add3A_34, %dma_wait3A_37] : memref<524288x512xf32, #tpu.memory_space<hbm>> -> memref<96x512xf32, #tpu.memory_space<hbm>>
    tpu.wait_dma2 semaphore(%arg10 : memref<!tpu.dma_semaphore, #tpu.memory_space<semaphore_mem>>) src(%arg6 : memref<96x512xf32, #tpu.memory_space<vmem>>) dst(%dma_wait3A_38 : memref<96x512xf32, #tpu.memory_space<hbm>>)
    %dma_start3A_39 = arith.constant 192 : i32
    %dma_start3A_40 = tpu.memref_slice %arg5[%dma_start3A_39] : memref<16384xi32, #tpu.memory_space<vmem>> -> memref<96xi32, #tpu.memory_space<vmem>>
    %dma_start3A_41 = arith.constant 0 : i32
    %dma_start3A_42 = arith.constant 0 : i32
    %dma_start3A_43 = tpu.memref_slice %arg3[%dma_start3A_41, %dma_start3A_42] : memref<50265x512xf32, #tpu.memory_space<hbm>> -> memref<50265x512xf32, #tpu.memory_space<hbm>>
    tpu.enqueue_indirect_dma source(%dma_start3A_43 : memref<50265x512xf32, #tpu.memory_space<hbm>>) target(%arg6 : memref<96x512xf32, #tpu.memory_space<vmem>>) offsets(%dma_start3A_40 : memref<96xi32, #tpu.memory_space<vmem>>) semaphore(%arg8 : memref<!tpu.dma_semaphore, #tpu.memory_space<semaphore_mem>>)
    %scan3A = arith.constant 0 : i32
    %scan3A_44 = arith.constant 83 : i32
    %scan3A_45 = arith.addi %scan3A, %scan3A_44 : i32
    %scan3A_46 = arith.constant 1 : i32
    scf.for %scan3A_131 = %scan3A to %scan3A_45 step %scan3A_46  : i32 {
      %mul3A_132 = arith.constant 1 : i32
      %mul3A_133 = arith.muli %scan3A_131, %mul3A_132 : i32
      %add3A_134 = arith.constant 1 : i32
      %add3A_135 = arith.addi %add3A_134, %mul3A_133 : i32
      %mul3A_136 = arith.constant 2 : i32
      %mul3A_137 = arith.muli %mul3A_136, %add3A_135 : i32
      %mul3A_138 = arith.constant 96 : i32
      %mul3A_139 = arith.muli %mul3A_137, %mul3A_138 : i32
      %dma_wait3A_140 = tpu.memref_slice %arg5[%mul3A_139] : memref<16384xi32, #tpu.memory_space<vmem>> -> memref<96xi32, #tpu.memory_space<vmem>>
      %dma_wait3A_141 = arith.constant 0 : i32
      %dma_wait3A_142 = arith.constant 0 : i32
      %dma_wait3A_143 = tpu.memref_slice %arg3[%dma_wait3A_141, %dma_wait3A_142] : memref<50265x512xf32, #tpu.memory_space<hbm>> -> memref<50265x512xf32, #tpu.memory_space<hbm>>
      tpu.wait_indirect_dma semaphore(%arg8 : memref<!tpu.dma_semaphore, #tpu.memory_space<semaphore_mem>>) src(%dma_wait3A_143 : memref<50265x512xf32, #tpu.memory_space<hbm>>) dst(%arg6 : memref<96x512xf32, #tpu.memory_space<vmem>>)
      %mul3A_144 = arith.constant 96 : i32
      %mul3A_145 = arith.muli %mul3A_137, %mul3A_144 : i32
      %add3A_146 = arith.addi %mul3A_2, %mul3A_145 : i32
      %dma_start3A_147 = arith.constant 0 : i32
      %dma_start3A_148 = tpu.memref_slice %arg4[%add3A_146, %dma_start3A_147] : memref<524288x512xf32, #tpu.memory_space<hbm>> -> memref<96x512xf32, #tpu.memory_space<hbm>>
      %dma_start3A_149 = arith.constant 0 : i32
      %dma_start3A_150 = tpu.memref_slice %arg4[%add3A_146, %dma_start3A_149] : memref<524288x512xf32, #tpu.memory_space<hbm>> -> memref<96x512xf32, #tpu.memory_space<hbm>>
      tpu.enqueue_dma source(%arg6 : memref<96x512xf32, #tpu.memory_space<vmem>>) target(%dma_start3A_150 : memref<96x512xf32, #tpu.memory_space<hbm>>) target_semaphore(%arg10 : memref<!tpu.dma_semaphore, #tpu.memory_space<semaphore_mem>>)
      %sub3A = arith.constant 1 : i32
      %sub3A_151 = arith.subi %mul3A_137, %sub3A : i32
      %mul3A_152 = arith.constant 96 : i32
      %mul3A_153 = arith.muli %sub3A_151, %mul3A_152 : i32
      %add3A_154 = arith.addi %mul3A_2, %mul3A_153 : i32
      %dma_wait3A_155 = arith.constant 0 : i32
      %dma_wait3A_156 = tpu.memref_slice %arg4[%add3A_154, %dma_wait3A_155] : memref<524288x512xf32, #tpu.memory_space<hbm>> -> memref<96x512xf32, #tpu.memory_space<hbm>>
      %dma_wait3A_157 = arith.constant 0 : i32
      %dma_wait3A_158 = tpu.memref_slice %arg4[%add3A_154, %dma_wait3A_157] : memref<524288x512xf32, #tpu.memory_space<hbm>> -> memref<96x512xf32, #tpu.memory_space<hbm>>
      tpu.wait_dma2 semaphore(%arg11 : memref<!tpu.dma_semaphore, #tpu.memory_space<semaphore_mem>>) src(%arg7 : memref<96x512xf32, #tpu.memory_space<vmem>>) dst(%dma_wait3A_158 : memref<96x512xf32, #tpu.memory_space<hbm>>)
      %add3A_159 = arith.constant 1 : i32
      %add3A_160 = arith.addi %mul3A_137, %add3A_159 : i32
      %mul3A_161 = arith.constant 96 : i32
      %mul3A_162 = arith.muli %add3A_160, %mul3A_161 : i32
      %dma_start3A_163 = tpu.memref_slice %arg5[%mul3A_162] : memref<16384xi32, #tpu.memory_space<vmem>> -> memref<96xi32, #tpu.memory_space<vmem>>
      %dma_start3A_164 = arith.constant 0 : i32
      %dma_start3A_165 = arith.constant 0 : i32
      %dma_start3A_166 = tpu.memref_slice %arg3[%dma_start3A_164, %dma_start3A_165] : memref<50265x512xf32, #tpu.memory_space<hbm>> -> memref<50265x512xf32, #tpu.memory_space<hbm>>
      tpu.enqueue_indirect_dma source(%dma_start3A_166 : memref<50265x512xf32, #tpu.memory_space<hbm>>) target(%arg7 : memref<96x512xf32, #tpu.memory_space<vmem>>) offsets(%dma_start3A_163 : memref<96xi32, #tpu.memory_space<vmem>>) semaphore(%arg9 : memref<!tpu.dma_semaphore, #tpu.memory_space<semaphore_mem>>)
      %add3A_167 = arith.constant 1 : i32
      %add3A_168 = arith.addi %mul3A_137, %add3A_167 : i32
      %mul3A_169 = arith.constant 96 : i32
      %mul3A_170 = arith.muli %add3A_168, %mul3A_169 : i32
      %dma_wait3A_171 = tpu.memref_slice %arg5[%mul3A_170] : memref<16384xi32, #tpu.memory_space<vmem>> -> memref<96xi32, #tpu.memory_space<vmem>>
      %dma_wait3A_172 = arith.constant 0 : i32
      %dma_wait3A_173 = arith.constant 0 : i32
      %dma_wait3A_174 = tpu.memref_slice %arg3[%dma_wait3A_172, %dma_wait3A_173] : memref<50265x512xf32, #tpu.memory_space<hbm>> -> memref<50265x512xf32, #tpu.memory_space<hbm>>
      tpu.wait_indirect_dma semaphore(%arg9 : memref<!tpu.dma_semaphore, #tpu.memory_space<semaphore_mem>>) src(%dma_wait3A_174 : memref<50265x512xf32, #tpu.memory_space<hbm>>) dst(%arg7 : memref<96x512xf32, #tpu.memory_space<vmem>>)
      %add3A_175 = arith.constant 1 : i32
      %add3A_176 = arith.addi %mul3A_137, %add3A_175 : i32
      %mul3A_177 = arith.constant 96 : i32
      %mul3A_178 = arith.muli %add3A_176, %mul3A_177 : i32
      %add3A_179 = arith.addi %mul3A_2, %mul3A_178 : i32
      %dma_start3A_180 = arith.constant 0 : i32
      %dma_start3A_181 = tpu.memref_slice %arg4[%add3A_179, %dma_start3A_180] : memref<524288x512xf32, #tpu.memory_space<hbm>> -> memref<96x512xf32, #tpu.memory_space<hbm>>
      %dma_start3A_182 = arith.constant 0 : i32
      %dma_start3A_183 = tpu.memref_slice %arg4[%add3A_179, %dma_start3A_182] : memref<524288x512xf32, #tpu.memory_space<hbm>> -> memref<96x512xf32, #tpu.memory_space<hbm>>
      tpu.enqueue_dma source(%arg7 : memref<96x512xf32, #tpu.memory_space<vmem>>) target(%dma_start3A_183 : memref<96x512xf32, #tpu.memory_space<hbm>>) target_semaphore(%arg11 : memref<!tpu.dma_semaphore, #tpu.memory_space<semaphore_mem>>)
      %mul3A_184 = arith.constant 96 : i32
      %mul3A_185 = arith.muli %mul3A_137, %mul3A_184 : i32
      %add3A_186 = arith.addi %mul3A_2, %mul3A_185 : i32
      %dma_wait3A_187 = arith.constant 0 : i32
      %dma_wait3A_188 = tpu.memref_slice %arg4[%add3A_186, %dma_wait3A_187] : memref<524288x512xf32, #tpu.memory_space<hbm>> -> memref<96x512xf32, #tpu.memory_space<hbm>>
      %dma_wait3A_189 = arith.constant 0 : i32
      %dma_wait3A_190 = tpu.memref_slice %arg4[%add3A_186, %dma_wait3A_189] : memref<524288x512xf32, #tpu.memory_space<hbm>> -> memref<96x512xf32, #tpu.memory_space<hbm>>
      tpu.wait_dma2 semaphore(%arg10 : memref<!tpu.dma_semaphore, #tpu.memory_space<semaphore_mem>>) src(%arg6 : memref<96x512xf32, #tpu.memory_space<vmem>>) dst(%dma_wait3A_190 : memref<96x512xf32, #tpu.memory_space<hbm>>)
      %add3A_191 = arith.constant 2 : i32
      %add3A_192 = arith.addi %mul3A_137, %add3A_191 : i32
      %mul3A_193 = arith.constant 96 : i32
      %mul3A_194 = arith.muli %add3A_192, %mul3A_193 : i32
      %dma_start3A_195 = tpu.memref_slice %arg5[%mul3A_194] : memref<16384xi32, #tpu.memory_space<vmem>> -> memref<96xi32, #tpu.memory_space<vmem>>
      %dma_start3A_196 = arith.constant 0 : i32
      %dma_start3A_197 = arith.constant 0 : i32
      %dma_start3A_198 = tpu.memref_slice %arg3[%dma_start3A_196, %dma_start3A_197] : memref<50265x512xf32, #tpu.memory_space<hbm>> -> memref<50265x512xf32, #tpu.memory_space<hbm>>
      tpu.enqueue_indirect_dma source(%dma_start3A_198 : memref<50265x512xf32, #tpu.memory_space<hbm>>) target(%arg6 : memref<96x512xf32, #tpu.memory_space<vmem>>) offsets(%dma_start3A_195 : memref<96xi32, #tpu.memory_space<vmem>>) semaphore(%arg8 : memref<!tpu.dma_semaphore, #tpu.memory_space<semaphore_mem>>)
    }
    %scan3A_47 = arith.constant 83 : i32
    %dma_wait3A_48 = arith.constant 16128 : i32
    %dma_wait3A_49 = tpu.memref_slice %arg5[%dma_wait3A_48] : memref<16384xi32, #tpu.memory_space<vmem>> -> memref<96xi32, #tpu.memory_space<vmem>>
    %dma_wait3A_50 = arith.constant 0 : i32
    %dma_wait3A_51 = arith.constant 0 : i32
    %dma_wait3A_52 = tpu.memref_slice %arg3[%dma_wait3A_50, %dma_wait3A_51] : memref<50265x512xf32, #tpu.memory_space<hbm>> -> memref<50265x512xf32, #tpu.memory_space<hbm>>
    tpu.wait_indirect_dma semaphore(%arg8 : memref<!tpu.dma_semaphore, #tpu.memory_space<semaphore_mem>>) src(%dma_wait3A_52 : memref<50265x512xf32, #tpu.memory_space<hbm>>) dst(%arg6 : memref<96x512xf32, #tpu.memory_space<vmem>>)
    %add3A_53 = arith.constant 16128 : i32
    %add3A_54 = arith.addi %mul3A_2, %add3A_53 : i32
    %dma_start3A_55 = arith.constant 0 : i32
    %dma_start3A_56 = tpu.memref_slice %arg4[%add3A_54, %dma_start3A_55] : memref<524288x512xf32, #tpu.memory_space<hbm>> -> memref<96x512xf32, #tpu.memory_space<hbm>>
    %dma_start3A_57 = arith.constant 0 : i32
    %dma_start3A_58 = tpu.memref_slice %arg4[%add3A_54, %dma_start3A_57] : memref<524288x512xf32, #tpu.memory_space<hbm>> -> memref<96x512xf32, #tpu.memory_space<hbm>>
    tpu.enqueue_dma source(%arg6 : memref<96x512xf32, #tpu.memory_space<vmem>>) target(%dma_start3A_58 : memref<96x512xf32, #tpu.memory_space<hbm>>) target_semaphore(%arg10 : memref<!tpu.dma_semaphore, #tpu.memory_space<semaphore_mem>>)
    %add3A_59 = arith.constant 16032 : i32
    %add3A_60 = arith.addi %mul3A_2, %add3A_59 : i32
    %dma_wait3A_61 = arith.constant 0 : i32
    %dma_wait3A_62 = tpu.memref_slice %arg4[%add3A_60, %dma_wait3A_61] : memref<524288x512xf32, #tpu.memory_space<hbm>> -> memref<96x512xf32, #tpu.memory_space<hbm>>
    %dma_wait3A_63 = arith.constant 0 : i32
    %dma_wait3A_64 = tpu.memref_slice %arg4[%add3A_60, %dma_wait3A_63] : memref<524288x512xf32, #tpu.memory_space<hbm>> -> memref<96x512xf32, #tpu.memory_space<hbm>>
    tpu.wait_dma2 semaphore(%arg11 : memref<!tpu.dma_semaphore, #tpu.memory_space<semaphore_mem>>) src(%arg7 : memref<96x512xf32, #tpu.memory_space<vmem>>) dst(%dma_wait3A_64 : memref<96x512xf32, #tpu.memory_space<hbm>>)
    %dma_start3A_65 = arith.constant 16224 : i32
    %dma_start3A_66 = tpu.memref_slice %arg5[%dma_start3A_65] : memref<16384xi32, #tpu.memory_space<vmem>> -> memref<96xi32, #tpu.memory_space<vmem>>
    %dma_start3A_67 = arith.constant 0 : i32
    %dma_start3A_68 = arith.constant 0 : i32
    %dma_start3A_69 = tpu.memref_slice %arg3[%dma_start3A_67, %dma_start3A_68] : memref<50265x512xf32, #tpu.memory_space<hbm>> -> memref<50265x512xf32, #tpu.memory_space<hbm>>
    tpu.enqueue_indirect_dma source(%dma_start3A_69 : memref<50265x512xf32, #tpu.memory_space<hbm>>) target(%arg7 : memref<96x512xf32, #tpu.memory_space<vmem>>) offsets(%dma_start3A_66 : memref<96xi32, #tpu.memory_space<vmem>>) semaphore(%arg9 : memref<!tpu.dma_semaphore, #tpu.memory_space<semaphore_mem>>)
    %dma_wait3A_70 = arith.constant 16224 : i32
    %dma_wait3A_71 = tpu.memref_slice %arg5[%dma_wait3A_70] : memref<16384xi32, #tpu.memory_space<vmem>> -> memref<96xi32, #tpu.memory_space<vmem>>
    %dma_wait3A_72 = arith.constant 0 : i32
    %dma_wait3A_73 = arith.constant 0 : i32
    %dma_wait3A_74 = tpu.memref_slice %arg3[%dma_wait3A_72, %dma_wait3A_73] : memref<50265x512xf32, #tpu.memory_space<hbm>> -> memref<50265x512xf32, #tpu.memory_space<hbm>>
    tpu.wait_indirect_dma semaphore(%arg9 : memref<!tpu.dma_semaphore, #tpu.memory_space<semaphore_mem>>) src(%dma_wait3A_74 : memref<50265x512xf32, #tpu.memory_space<hbm>>) dst(%arg7 : memref<96x512xf32, #tpu.memory_space<vmem>>)
    %add3A_75 = arith.constant 16224 : i32
    %add3A_76 = arith.addi %mul3A_2, %add3A_75 : i32
    %dma_start3A_77 = arith.constant 0 : i32
    %dma_start3A_78 = tpu.memref_slice %arg4[%add3A_76, %dma_start3A_77] : memref<524288x512xf32, #tpu.memory_space<hbm>> -> memref<96x512xf32, #tpu.memory_space<hbm>>
    %dma_start3A_79 = arith.constant 0 : i32
    %dma_start3A_80 = tpu.memref_slice %arg4[%add3A_76, %dma_start3A_79] : memref<524288x512xf32, #tpu.memory_space<hbm>> -> memref<96x512xf32, #tpu.memory_space<hbm>>
    tpu.enqueue_dma source(%arg7 : memref<96x512xf32, #tpu.memory_space<vmem>>) target(%dma_start3A_80 : memref<96x512xf32, #tpu.memory_space<hbm>>) target_semaphore(%arg11 : memref<!tpu.dma_semaphore, #tpu.memory_space<semaphore_mem>>)
    %add3A_81 = arith.constant 16128 : i32
    %add3A_82 = arith.addi %mul3A_2, %add3A_81 : i32
    %dma_wait3A_83 = arith.constant 0 : i32
    %dma_wait3A_84 = tpu.memref_slice %arg4[%add3A_82, %dma_wait3A_83] : memref<524288x512xf32, #tpu.memory_space<hbm>> -> memref<96x512xf32, #tpu.memory_space<hbm>>
    %dma_wait3A_85 = arith.constant 0 : i32
    %dma_wait3A_86 = tpu.memref_slice %arg4[%add3A_82, %dma_wait3A_85] : memref<524288x512xf32, #tpu.memory_space<hbm>> -> memref<96x512xf32, #tpu.memory_space<hbm>>
    tpu.wait_dma2 semaphore(%arg10 : memref<!tpu.dma_semaphore, #tpu.memory_space<semaphore_mem>>) src(%arg6 : memref<96x512xf32, #tpu.memory_space<vmem>>) dst(%dma_wait3A_86 : memref<96x512xf32, #tpu.memory_space<hbm>>)
    %add3A_87 = arith.constant 16320 : i32
    %add3A_88 = arith.addi %mul3A_2, %add3A_87 : i32
    %dma_start3A_89 = arith.constant 0 : i32
    %dma_start3A_90 = arith.constant 0 : i32
    %dma_start3A_91 = tpu.memref_slice %arg6[%dma_start3A_89, %dma_start3A_90] : memref<96x512xf32, #tpu.memory_space<vmem>> -> memref<64x512xf32, #tpu.memory_space<vmem>>
    %dma_start3A_92 = arith.constant 16320 : i32
    %dma_start3A_93 = tpu.memref_slice %arg5[%dma_start3A_92] : memref<16384xi32, #tpu.memory_space<vmem>> -> memref<64xi32, #tpu.memory_space<vmem>>
    %dma_start3A_94 = arith.constant 0 : i32
    %dma_start3A_95 = arith.constant 0 : i32
    %dma_start3A_96 = tpu.memref_slice %arg3[%dma_start3A_94, %dma_start3A_95] : memref<50265x512xf32, #tpu.memory_space<hbm>> -> memref<50265x512xf32, #tpu.memory_space<hbm>>
    tpu.enqueue_indirect_dma source(%dma_start3A_96 : memref<50265x512xf32, #tpu.memory_space<hbm>>) target(%dma_start3A_91 : memref<64x512xf32, #tpu.memory_space<vmem>>) offsets(%dma_start3A_93 : memref<64xi32, #tpu.memory_space<vmem>>) semaphore(%arg8 : memref<!tpu.dma_semaphore, #tpu.memory_space<semaphore_mem>>)
    %dma_wait3A_97 = arith.constant 0 : i32
    %dma_wait3A_98 = arith.constant 0 : i32
    %dma_wait3A_99 = tpu.memref_slice %arg6[%dma_wait3A_97, %dma_wait3A_98] : memref<96x512xf32, #tpu.memory_space<vmem>> -> memref<64x512xf32, #tpu.memory_space<vmem>>
    %dma_wait3A_100 = arith.constant 16320 : i32
    %dma_wait3A_101 = tpu.memref_slice %arg5[%dma_wait3A_100] : memref<16384xi32, #tpu.memory_space<vmem>> -> memref<64xi32, #tpu.memory_space<vmem>>
    %dma_wait3A_102 = arith.constant 0 : i32
    %dma_wait3A_103 = arith.constant 0 : i32
    %dma_wait3A_104 = tpu.memref_slice %arg3[%dma_wait3A_102, %dma_wait3A_103] : memref<50265x512xf32, #tpu.memory_space<hbm>> -> memref<50265x512xf32, #tpu.memory_space<hbm>>
    tpu.wait_indirect_dma semaphore(%arg8 : memref<!tpu.dma_semaphore, #tpu.memory_space<semaphore_mem>>) src(%dma_wait3A_104 : memref<50265x512xf32, #tpu.memory_space<hbm>>) dst(%dma_wait3A_99 : memref<64x512xf32, #tpu.memory_space<vmem>>)
    %dma_start3A_105 = arith.constant 0 : i32
    %dma_start3A_106 = arith.constant 0 : i32
    %dma_start3A_107 = tpu.memref_slice %arg6[%dma_start3A_105, %dma_start3A_106] : memref<96x512xf32, #tpu.memory_space<vmem>> -> memref<64x512xf32, #tpu.memory_space<vmem>>
    %dma_start3A_108 = arith.constant 0 : i32
    %dma_start3A_109 = tpu.memref_slice %arg4[%add3A_88, %dma_start3A_108] : memref<524288x512xf32, #tpu.memory_space<hbm>> -> memref<64x512xf32, #tpu.memory_space<hbm>>
    %dma_start3A_110 = arith.constant 0 : i32
    %dma_start3A_111 = tpu.memref_slice %arg4[%add3A_88, %dma_start3A_110] : memref<524288x512xf32, #tpu.memory_space<hbm>> -> memref<64x512xf32, #tpu.memory_space<hbm>>
    %dma_start3A_112 = arith.constant 0 : i32
    %dma_start3A_113 = arith.constant 0 : i32
    %dma_start3A_114 = tpu.memref_slice %arg6[%dma_start3A_112, %dma_start3A_113] : memref<96x512xf32, #tpu.memory_space<vmem>> -> memref<64x512xf32, #tpu.memory_space<vmem>>
    tpu.enqueue_dma source(%dma_start3A_114 : memref<64x512xf32, #tpu.memory_space<vmem>>) target(%dma_start3A_111 : memref<64x512xf32, #tpu.memory_space<hbm>>) target_semaphore(%arg10 : memref<!tpu.dma_semaphore, #tpu.memory_space<semaphore_mem>>)
    %add3A_115 = arith.constant 16224 : i32
    %add3A_116 = arith.addi %mul3A_2, %add3A_115 : i32
    %dma_wait3A_117 = arith.constant 0 : i32
    %dma_wait3A_118 = tpu.memref_slice %arg4[%add3A_116, %dma_wait3A_117] : memref<524288x512xf32, #tpu.memory_space<hbm>> -> memref<96x512xf32, #tpu.memory_space<hbm>>
    %dma_wait3A_119 = arith.constant 0 : i32
    %dma_wait3A_120 = tpu.memref_slice %arg4[%add3A_116, %dma_wait3A_119] : memref<524288x512xf32, #tpu.memory_space<hbm>> -> memref<96x512xf32, #tpu.memory_space<hbm>>
    tpu.wait_dma2 semaphore(%arg11 : memref<!tpu.dma_semaphore, #tpu.memory_space<semaphore_mem>>) src(%arg7 : memref<96x512xf32, #tpu.memory_space<vmem>>) dst(%dma_wait3A_120 : memref<96x512xf32, #tpu.memory_space<hbm>>)
    %dma_wait3A_121 = arith.constant 0 : i32
    %dma_wait3A_122 = arith.constant 0 : i32
    %dma_wait3A_123 = tpu.memref_slice %arg6[%dma_wait3A_121, %dma_wait3A_122] : memref<96x512xf32, #tpu.memory_space<vmem>> -> memref<64x512xf32, #tpu.memory_space<vmem>>
    %dma_wait3A_124 = arith.constant 0 : i32
    %dma_wait3A_125 = tpu.memref_slice %arg4[%add3A_88, %dma_wait3A_124] : memref<524288x512xf32, #tpu.memory_space<hbm>> -> memref<64x512xf32, #tpu.memory_space<hbm>>
    %dma_wait3A_126 = arith.constant 0 : i32
    %dma_wait3A_127 = tpu.memref_slice %arg4[%add3A_88, %dma_wait3A_126] : memref<524288x512xf32, #tpu.memory_space<hbm>> -> memref<64x512xf32, #tpu.memory_space<hbm>>
    %dma_wait3A_128 = arith.constant 0 : i32
    %dma_wait3A_129 = arith.constant 0 : i32
    %dma_wait3A_130 = tpu.memref_slice %arg6[%dma_wait3A_128, %dma_wait3A_129] : memref<96x512xf32, #tpu.memory_space<vmem>> -> memref<64x512xf32, #tpu.memory_space<vmem>>
    tpu.wait_dma2 semaphore(%arg10 : memref<!tpu.dma_semaphore, #tpu.memory_space<semaphore_mem>>) src(%dma_wait3A_130 : memref<64x512xf32, #tpu.memory_space<vmem>>) dst(%dma_wait3A_127 : memref<64x512xf32, #tpu.memory_space<hbm>>)
    return
  }
}

</mosaic_0001>

<sc_bundles>
// kernel: _embed.3.cloned.1.call-start
scs
__scs_entry_jumppad:
0x0: {  	(pc) =	sbr.rel $0x88, $3  }
0x1: {  	(tag) =	ssettag $0x0;
	lr =	simm.s32 $0x1  }
0x2: {  	[smem:$0x3F9F] =	sst lr;
	_ =	strace $0xD0000000  }
0x3: {  	_ = 	snop  }
0x4: {  	_ = 	snop  }
0x5: {  	_ = 	snop  }
0x6: {  	_ = 	snop  }
0x7: {  	_ = 	snop  }
__scs_overlays_trampoline_lowered:
0x8: {  	[smem:$0x3FAE] =	sst s0  }
0x9: {  	[smem:$0x3FAF] =	sst s1  }
0xa: {  	[smem:$0x3FB0] =	sst s2  }
0xb: {  	[smem:$0x3FB1] =	sst s3  }
0xc: {  	[smem:$0x3FB2] =	sst s4  }
0xd: {  	[smem:$0x3FB3] =	sst s5  }
0xe: {  	[smem:$0x3FB4] =	sst s6  }
0xf: {  	[smem:$0x3FB5] =	sst s7  }
0x10: {  	[smem:$0x3FB6] =	sst s8  }
0x11: {  	[smem:$0x3FB7] =	sst s9;
	s0 =	simm.s32 @!p0 $0x0  }
0x12: {  	s1 =	sld [smem:$0x3F9D];
	s0 =	simm.s32 @p0 $0x1  }
0x13: {  	[smem:$0x3FB8] =	sst s0;
	s0 =	simm.s32 @!p1 $0x0  }
0x14: {  	s2 =	sld [smem:$0x3F9C];
	s0 =	simm.s32 @p1 $0x1  }
0x15: {  	[smem:$0x3FB9] =	sst s0;
	s0 =	simm.s32 @!p2 $0x0  }
0x16: {  	s3 =	sld [smem:$0x3FDB];
	s0 =	simm.s32 @p2 $0x1  }
0x17: {  	s4 =	simm.s32 $0x1BF5;
	[smem:$0x3FBB] =	sst s0  }
0x18: {  	s0 =	sld [smem:$0x3F9E];
	_ =	swait.ge [sflag:s4], $0x0  }
0x19: {  	s7 =	sld [smem:$0x3F9F]  }
0x1a: {  	s8 =	sadd.s32 $0xFFFFE003, lr  }
0x1b: {  	s9 =	sadd.s32 $0xFFFFFEF7, lr;
	s5 =	simm.s32 $0xFFFFFFFF;
	p2 =	slt.u32 s8, $0xFFFFF086  }
0x1c: {  	p1 =	slt.u32 s9, $0xF7A;
	s5 =	simm.s32 @!p2 $0x0  }
0x1d: {  	s5 =	simm.s32 @p1 $0x1;
	p0 =	seq.s32 s7, s2  }
0x1e: {  	s7 =	smul.u32 @!p0 $0xF7A, s2;
	p2 =	seq.s32 @!p0 s5, $0x0  }
0x1f: {  	s9 =	smul.u32 $0xF7A, s1;
	s8 =	simm.s32 @!p0 $0x1BF5;
	p2 =	por !p2, p0  }
0x20: {  	[sflag:s8] =	ssyncset.s32 @!p0 $0xFFFFF086;
	s6 =	sadd.s32 @!p0 s3, s7;
	s7 =	simm.s32 @!p0 $0x108  }
0x21: {  	s3 =	sadd.s32 s3, s9;
	s6 =	sadd.s32 @!p0 $0x88, s6;
	s7 =	simm.s32 @p2 $0x1082  }
0x22: {  	[simem:s7], [sflag:s8] =	dma.local @!p0 [hbm:s6], $0xF7A  }
0x23: {  	s9 =	sor.u32 $0xD0000000, s2;
	s6 =	simm.s32 $0x108;
	_ =	swait.ge @!p0 [sflag:s8], $0x0  }
0x24: {  	s3 =	sadd.s32 $0x88, s3;
	s6 =	simm.s32 @!p1 $0x1082;
	[sflag:s4] =	ssyncset.s32 $0xFFFFF086  }
0x25: {  	[simem:s6], [sflag:s4] =	dma.local [hbm:s3], $0xF7A  }
0x26: {  	[smem:$0x3F9F] =	sst s1;
	(tag) =	ssettag s2;
	_ =	strace s9  }
0x27: {  	s1 =	sld [smem:$0x3FAF]  }
0x28: {  	s2 =	sld [smem:$0x3FB0]  }
0x29: {  	s4 =	sld [smem:$0x3FB2]  }
0x2a: {  	p0 =	seq.s32 s5, $0x0;
	s5 =	sld [smem:$0x3FB3]  }
0x2b: {  	s6 =	sld [smem:$0x3FB4]  }
0x2c: {  	s7 =	sld [smem:$0x3FB5]  }
0x2d: {  	s3 =	simm.s32 $0x108;
	s8 =	sld [smem:$0x3FB6]  }
0x2e: {  	s3 =	simm.s32 @!p0 $0x1082;
	s9 =	sld [smem:$0x3FB7]  }
0x2f: {  	lr =	sadd.s32 s0, s3;
	s0 =	sld [smem:$0x3FAE]  }
0x30: {  	s3 =	sld [smem:$0x3FB1]  }
0x31: {  	[smem:$0x3FBA] =	sst s10  }
0x32: {  	s10 =	sld [smem:$0x3FB8];
	_ =	sdelay $0x3  }
0x33: {  	p0 =	seq.s32 s10, $0x1;
	s10 =	sld [smem:$0x3FBA];
	_ =	sdelay $0x3  }
0x34: {  	[smem:$0x3FBA] =	sst s10  }
0x35: {  	s10 =	sld [smem:$0x3FB9];
	_ =	sdelay $0x3  }
0x36: {  	p1 =	seq.s32 s10, $0x1;
	s10 =	sld [smem:$0x3FBA];
	_ =	sdelay $0x3  }
0x37: {  	[smem:$0x3FBA] =	sst s10  }
0x38: {  	s10 =	sld [smem:$0x3FBB]  }
0x39: {  	_ = 	snop;
	(pc) =	sbr.ind lr, $3  }
0x3a: {  	_ = 	snop  }
0x3b: {  	_ = 	snop  }
0x3c: {  	p2 =	seq.s32 s10, $0x1;
	s10 =	sld [smem:$0x3FBA]  }
0x3d: {  	_ =	shalt  }
0x3e: {  	_ =	shalt  }
0x3f: {  	_ =	shalt  }
0x40: {  	_ =	shalt  }
0x41: {  	_ =	shalt  }
0x42: {  	_ =	shalt  }
0x43: {  	_ =	shalt  }
0x44: {  	_ =	shalt  }
0x45: {  	_ =	shalt  }
0x46: {  	_ =	shalt  }
0x47: {  	_ =	shalt  }
0x48: {  	_ =	shalt  }
0x49: {  	_ =	shalt  }
0x4a: {  	_ =	shalt  }
0x4b: {  	_ =	shalt  }
0x4c: {  	_ =	shalt  }
0x4d: {  	_ =	shalt  }
0x4e: {  	_ =	shalt  }
0x4f: {  	_ =	shalt  }
0x50: {  	_ =	shalt  }
0x51: {  	_ =	shalt  }
0x52: {  	_ =	shalt  }
0x53: {  	_ =	shalt  }
0x54: {  	_ =	shalt  }
0x55: {  	_ =	shalt  }
0x56: {  	_ =	shalt  }
0x57: {  	_ =	shalt  }
0x58: {  	_ =	shalt  }
0x59: {  	_ =	shalt  }
0x5a: {  	_ =	shalt  }
0x5b: {  	_ =	shalt  }
0x5c: {  	_ =	shalt  }
0x5d: {  	_ =	shalt  }
0x5e: {  	_ =	shalt  }
0x5f: {  	_ =	shalt  }
0x60: {  	_ =	shalt  }
0x61: {  	_ =	shalt  }
0x62: {  	_ =	shalt  }
0x63: {  	_ =	shalt  }
0x64: {  	_ =	shalt  }
0x65: {  	_ =	shalt  }
0x66: {  	_ =	shalt  }
0x67: {  	_ =	shalt  }
0x68: {  	_ =	shalt  }
0x69: {  	_ =	shalt  }
0x6a: {  	_ =	shalt  }
0x6b: {  	_ =	shalt  }
0x6c: {  	_ =	shalt  }
0x6d: {  	_ =	shalt  }
0x6e: {  	_ =	shalt  }
0x6f: {  	_ =	shalt  }
0x70: {  	_ =	shalt  }
0x71: {  	_ =	shalt  }
0x72: {  	_ =	shalt  }
0x73: {  	_ =	shalt  }
0x74: {  	_ =	shalt  }
0x75: {  	_ =	shalt  }
0x76: {  	_ =	shalt  }
0x77: {  	_ =	shalt  }
0x78: {  	_ =	shalt  }
0x79: {  	_ =	shalt  }
0x7a: {  	_ =	shalt  }
0x7b: {  	_ =	shalt  }
0x7c: {  	_ =	shalt  }
0x7d: {  	_ =	shalt  }
0x7e: {  	_ =	shalt  }
0x7f: {  	_ =	shalt  }
0x80: {  	_ =	shalt  }
0x81: {  	_ =	shalt  }
0x82: {  	_ =	shalt  }
0x83: {  	_ =	shalt  }
0x84: {  	_ =	shalt  }
0x85: {  	_ =	shalt  }
0x86: {  	_ =	shalt  }
0x87: {  	_ =	shalt  }
.Lfunc_end0:
.L_simem_size_0:
called_computation_lowered:
.L_overlay_start_0:
0x88: {  	s2 =	sld [smem:$0x3FD9]  }
0x89: {  	s3 =	sld [smem:$0x3FFE];
	_ =	sdelay $0x1  }
0x8a: {  	s1 =	srdreg.scid  }
0x8b: {  	s0 =	sand.u32 $0x1, s1  }
0x8c: {  	s18 =	sshll.u32 s0, $0xA;
	s2 =	sadd.s32 s3, s2  }
0x8d: {  	s2 =	sadd.s32 s2, s18  }
0x8e: {  	[smem:$0x3FC6] =	sst s2  }
0x8f: {  	_ = 	snop  }
0x90: {  	s2 =	sld [smem:$0x3FC9]  }
0x91: {  	s19 =	sld [smem:$0x3FC8]  }
0x92: {  	s4 =	sld [smem:$0x3FD0];
	(tm) =	ssettm $0x1  }
0x93: {  	s5 =	sld [smem:$0x3FFB];
	_ =	sdelay $0x3  }
0x94: {  	_ =	strace s5  }
0x95: {  	s5 =	sld [smem:$0x3FFC];
	_ =	sdelay $0x3  }
0x96: {  	_ =	strace s5  }
0x97: {  	s5 =	sld [smem:$0x3FFD];
	_ =	sdelay $0x3  }
0x98: {  	_ =	strace s5  }
0x99: {  	_ =	strace $0x8FFFFFFF  }
0x9a: {  	s20 =	sld [smem:$0x3FDB];
	_ =	sdelay $0x1  }
0x9b: {  	s6 =	simm.s32 $_scs_section_size  }
0x9c: {  	s7 =	simm.s32 $_size__tile_overlayer_lowered;
	s8 =	simm.s32 $_tile_overlayer_lowered  }
0x9d: {  	s23 =	simm.s32 $0x1BFF;
	s22 =	sshll.u32 s8, $0x1;
	s5 =	sadd.s32 s6, s20  }
0x9e: {  	s9 =	simm.s32 $0x0;
	s21 =	sshll.u32 s7, $0x1;
	s7 =	sadd.s32 s22, s5  }
0x9f: {  	[timem:s9], [sflag:s23] =	dma.local [hbm:s7], s21  }
0xa0: {  	_ =	swait.ge [sflag:s23], s21  }
0xa1: {  	s6 =	ssub.s32 $0x0, s21;
	[sflag:s23] =	ssyncset.done $0x0  }
0xa2: {  	[sflag:s23] =	ssyncadd.s32 s6;
	_ =	sdelay $0x1  }
0xa3: {  	s24 =	simm.s32 $0x1B8B  }
0xa4: {  	_ =	swait.ge [sflag:s24], $0x1  }
0xa5: {  	[sflag:s24] =	ssyncset.done $0x0  }
0xa6: {  	s25 =	simm.s32 $0x1B8E;
	[sflag:s24] =	ssyncadd.s32 $0xFFFFFFFF  }
0xa7: {  	s26 =	simm.s32 $execute0_lowered;
	[smem:$0x3FD2] =	sst s25  }
0xa8: {  	s6 =	sshll.u32 s26, $0x1;
	_ =	strace $0x80000046;
	[dreg:$0x1] =	wrdreg $0xFFFFFFFF  }
0xa9: {  	s28 =	simm.s32 $_size_execute0_lowered;
	s5 =	sadd.s32 s5, s6;
	[dreg:$0x0] =	wrdreg $0x0  }
0xaa: {  	s6 =	sshll.u32 s28, $0x1;
	[dreg:$0x2] =	wrdreg s5  }
0xab: {  	[dreg:$0x3] =	wrdreg s6  }
0xac: {  	[dreg:$0x4] =	wrdreg $0xC0  }
0xad: {  	_ =	task [dreg:s9], $0x5FFFF  }
0xae: {  	[dreg:$0x1] =	wrdreg $0xFFFFFFFF  }
0xaf: {  	[dreg:$0x0] =	wrdreg $0x60  }
0xb0: {  	[dreg:$0x2] =	wrdreg s2  }
0xb1: {  	[dreg:$0x3] =	wrdreg s19  }
0xb2: {  	[dreg:$0x4] =	wrdreg s4  }
0xb3: {  	[dreg:$0x5] =	wrdreg $0x9  }
0xb4: {  	_ =	task.clear_ibuf [dreg:s9], $0x6FFFF;
	_ =	strace $0x90000046  }
0xb5: {  	s29 =	simm.s32 $0x9;
	_ =	strace $0x80000048  }
0xb6: {  	_ =	swait.ge [sflag:s29], $0x1  }
0xb7: {  	[sflag:s29] =	ssyncadd.s32 $0xFFFFFFFF  }
0xb8: {  	_ =	strace $0x90000048  }
0xb9: {  	_ =	sfence  }
0xba: {  	s30 =	sld [smem:$0x0];
	_ =	sdelay $0x2  }
0xbb: {  	s31 =	sshll.u32 s1, $0xD;
	s1 =	sshrl.u32 s1, $0x2  }
0xbc: {  	s3 =	sand.u32 $0x4000, s31;
	s1 =	sadd.s32 s1, s30  }
0xbd: {  	s0 =	sor.u32 s3, s0;
	s1 =	sshll.u32 s1, $0x11  }
0xbe: {  	s0 =	sor.u32 s1, s0  }
0xbf: {  	s0 =	sadd.s32 $0x8F2B, s0  }
0xc0: {  	[sflag:s0] =	ssyncadd.remote.s32 $0x1  }
0xc1: {  	_ =	sfence.sel $0xFFFF  }
0xc2: {  	[dreg:$0x0] =	wrdreg $0xFFFFFFFF;
	(pc) =	sbr.abs _section_cstart, $3  }
0xc3: {  	[dreg:$0x1] =	wrdreg $0xFFFFFFFF  }
0xc4: {  	_ =	task.clear_ibuf [dreg:s9], $0x2FFFF;
	_ =	strace $0x9FFFFFFF  }
0xc5: {  	(tm) =	ssettm $0x7FFFFFFF  }
tec
execute0_lowered:
.L_overlay_start_1:
0x0: {  	(tag) =	ssettag $0x1  }
0x1: {  	s0 =	rddreg [dreg:$0x0]  }
0x2: {  	s2 =	rddreg [dreg:$0x1]  }
0x3: {  	s1 =	srdreg.scid;
	s9 =	stileid.u32  }
0x4: {  	s4 =	rddreg [dreg:$0x2];
	s15 =	simm.s32 $0x4000;
	s14 =	simm.s32 $0xE800  }
0x5: {  	s16 =	simm.s32 $0xF000;
	s17 =	simm.s32 $0xF800;
	s10 =	simm.s32 $0x1  }
0x6: {  	s11 =	simm.s32 $0x10000;
	s12 =	simm.s32 $0x4;
	s13 =	simm.s32 $0x0  }
0x7: {  	s30 =	simm.s32 $0x4800;
	s31 =	simm.s32 $0x5800;
	s1 =	sand.u32 $0x1, s1  }
0x8: {  	s3 =	sshll.u32 s9, $0x1;
	s6 =	sshll.u32 s9, $0xF;
	s26 =	sshll.u32 s9, $0x15  }
0x9: {  	s9 =	simm.s32 $0xE000;
	s5 =	sor.u32 s1, s3;
	s3 =	simm.s32 $0x0  }
0xa: {  	s8 =	ssub.s32 $0x2, s1;
	s1 =	sshll.u32 s1, $0x14;
	s7 =	sshll.u32 s5, $0x7  }
0xb: {  	[smem:$0x7FF] =	sst s3;
	s21 =	sshrl.u32 s8, $0x1;
	s22 =	sshll.u32 s5, $0x14  }
0xc: {  	s5 =	sadd.s32 $0x100, s2;
	s6 =	sor.u32 s7, s6;
	s23 =	sadd.s32 s4, s22  }
0xd: {  	_ =	strace $0x80000047;
	s24 =	sadd.s32 $0x1800, s23;
	[dreg:$0x6] =	wrdreg s23  }
0xe: {  	s7 =	ssub.s32 s8, s21;
	s25 =	sadd.s32 $0xFC000, s23;
	[dreg:$0x7] =	wrdreg s24  }
0xf: {  	s6 =	sand.u32 $0x60380, s6;
	s8 =	sadd.s32 $0xFD800, s23;
	[dreg:$0x8] =	wrdreg s25  }
0x10: {  	s28 =	sadd.s32 $0xFF000, s23;
	s29 =	smax.u32 s7, $0x1;
	[dreg:$0x9] =	wrdreg s8  }
0x11: {  	s7 =	simm.s32 $0xD000;
	s6 =	sshrl.u32 s6, $0x3;
	[dreg:$0xa] =	wrdreg s28  }
0x12: {  	[dreg:$0xb] =	wrdreg s29;
	s8 =	simm.s32 $0xD800;
	s0 =	sadd.s32 s0, s6  }
0x13: {  	v2 =	vlaneseq.u32;
	s25 =	simm.s32 $0xD000;
	[dreg:$0x5] =	wrdreg s0;
	s0 =	sadd.s32 s26, s4  }
0x14: {  	vm0 =	vmmov $0xffff;
	v1 =	vshrl.u32 v2, $0x3;
	s6 =	simm.s32 $0xC800;
	s26 =	simm.s32 $0x3;
	s0 =	sadd.s32 s1, s0  }
0x15: {  	v0 =	vand.u32 $0x7, v2;
	v2 =	vor.u32 $0x8, v2;
	v1 =	vmul.u32 $0x8, v1;
	s1 =	simm.s32 $0xC000;
	[dreg:$0x4] =	wrdreg s0;
	s0 =	simm.s32 $0x2  }
.LBB2_1:
0x16: {  	[dreg:$0xc] =	wrdreg s13  }
0x17: {  	s4 =	rddreg [dreg:$0x5]  }
0x18: {  	s24 =	simm.s32 $0x80;
	s28 =	simm.s32 $0x400;
	s29 =	simm.s32 $0x5  }
0x19: {  	[tilespmem:s3], [sflag:$0x5] =	stream.strided.gather [hbm4b:s4+s24], $0x4000, s28, s24, $0x38;
	[tilespmem:$0x1C000] =	vst v63  }
0x1a: {  	_ =	swait.ge [sflag:s29], $0x4000  }
0x1b: {  	[sflag:s29] =	ssyncset.done $0x0  }
0x1c: {  	[sflag:s29] =	ssyncadd.s32 $0xFFFFC000  }
0x1d: {  	v3 =	vld [tilespmem:$0x0];
	_ =	sdelay $0x4  }
0x1e: {  	v4 =	vshll.u32 v3, $0x2  }
0x1f: {  	v3 =	vand.u32 $0x7, v3;
	v4 =	vand.u32 $0xFFFFFFE0, v4  }
0x20: {  	v3 =	vor.u32 v3, v4  }
0x21: {  	v4 =	vperm.xlane v3, v0;
	_ =	sdelay $0x1  }
0x22: {  	v4 =	vadd.s32 v1, v4;
	_ =	sdelay $0x1  }
0x23: {  	v3 =	vperm.xlane v3, v2;
	_ =	sdelay $0x1  }
0x24: {  	v3 =	vadd.s32 v1, v3  }
0x25: {  	[tilespmem:s15], [sflag:$0x1] =	stream.indirect_vreg.gather [hbm4b:s2+s3], $0x80, v4, vm0, $0xb8;
	[tilespmem:$0x1C000] =	vst v63  }
0x26: {  	s13 =	simm.s32 $0x4800  }
0x27: {  	[tilespmem:s13], [sflag:$0x1] =	stream.indirect_vreg.gather [hbm4b:s5+s3], $0x80, v4, vm0, $0xb8;
	[tilespmem:$0x1C000] =	vst v63  }
0x28: {  	s28 =	simm.s32 $0x5000  }
0x29: {  	[tilespmem:s28], [sflag:$0x1] =	stream.indirect_vreg.gather [hbm4b:s2+s3], $0x80, v3, vm0, $0xb8;
	[tilespmem:$0x1C000] =	vst v63  }
0x2a: {  	s29 =	simm.s32 $0x5800  }
0x2b: {  	[tilespmem:s29], [sflag:$0x1] =	stream.indirect_vreg.gather [hbm4b:s5+s3], $0x80, v3, vm0, $0xb8;
	[tilespmem:$0x1C000] =	vst v63  }
0x2c: {  	v3 =	vld [tilespmem:$0x10];
	_ =	sdelay $0x4  }
0x2d: {  	v47 =	vshll.u32 v3, $0x2  }
0x2e: {  	v3 =	vand.u32 $0x7, v3;
	v4 =	vand.u32 $0xFFFFFFE0, v47  }
0x2f: {  	v3 =	vor.u32 v3, v4  }
0x30: {  	v4 =	vperm.xlane v3, v0;
	_ =	sdelay $0x1  }
0x31: {  	v4 =	vadd.s32 v1, v4;
	_ =	sdelay $0x1  }
0x32: {  	v3 =	vperm.xlane v3, v2;
	_ =	sdelay $0x1  }
0x33: {  	s18 =	simm.s32 $0x6000;
	v3 =	vadd.s32 v1, v3  }
0x34: {  	[tilespmem:s18], [sflag:$0x1] =	stream.indirect_vreg.gather [hbm4b:s2+s3], $0x80, v4, vm0, $0xb8;
	[tilespmem:$0x1C000] =	vst v63  }
0x35: {  	s19 =	simm.s32 $0x6800  }
0x36: {  	[tilespmem:s19], [sflag:$0x1] =	stream.indirect_vreg.gather [hbm4b:s5+s3], $0x80, v4, vm0, $0xb8;
	[tilespmem:$0x1C000] =	vst v63  }
0x37: {  	s20 =	simm.s32 $0x7000  }
0x38: {  	[tilespmem:s20], [sflag:$0x1] =	stream.indirect_vreg.gather [hbm4b:s2+s3], $0x80, v3, vm0, $0xb8;
	[tilespmem:$0x1C000] =	vst v63  }
0x39: {  	s21 =	simm.s32 $0x7800  }
0x3a: {  	[tilespmem:s21], [sflag:$0x1] =	stream.indirect_vreg.gather [hbm4b:s5+s3], $0x80, v3, vm0, $0xb8;
	[tilespmem:$0x1C000] =	vst v63  }
0x3b: {  	v3 =	vld [tilespmem:$0x20];
	_ =	sdelay $0x4  }
0x3c: {  	v48 =	vshll.u32 v3, $0x2  }
0x3d: {  	v3 =	vand.u32 $0x7, v3;
	v4 =	vand.u32 $0xFFFFFFE0, v48  }
0x3e: {  	v3 =	vor.u32 v3, v4  }
0x3f: {  	v4 =	vperm.xlane v3, v0;
	_ =	sdelay $0x1  }
0x40: {  	v4 =	vadd.s32 v1, v4;
	_ =	sdelay $0x1  }
0x41: {  	v3 =	vperm.xlane v3, v2;
	_ =	sdelay $0x1  }
0x42: {  	s22 =	simm.s32 $0x8000;
	v3 =	vadd.s32 v1, v3  }
0x43: {  	[tilespmem:s22], [sflag:$0x1] =	stream.indirect_vreg.gather [hbm4b:s2+s3], $0x80, v4, vm0, $0xb8;
	[tilespmem:$0x1C000] =	vst v63  }
0x44: {  	s23 =	simm.s32 $0x8800  }
0x45: {  	[tilespmem:s23], [sflag:$0x1] =	stream.indirect_vreg.gather [hbm4b:s5+s3], $0x80, v4, vm0, $0xb8;
	[tilespmem:$0x1C000] =	vst v63  }
0x46: {  	s24 =	simm.s32 $0x9000  }
0x47: {  	[tilespmem:s24], [sflag:$0x1] =	stream.indirect_vreg.gather [hbm4b:s2+s3], $0x80, v3, vm0, $0xb8;
	[tilespmem:$0x1C000] =	vst v63  }
0x48: {  	s4 =	simm.s32 $0x9800  }
0x49: {  	[tilespmem:s4], [sflag:$0x1] =	stream.indirect_vreg.gather [hbm4b:s5+s3], $0x80, v3, vm0, $0xb8;
	[tilespmem:$0x1C000] =	vst v63  }
0x4a: {  	v3 =	vld [tilespmem:$0x30];
	_ =	sdelay $0x4  }
0x4b: {  	v49 =	vshll.u32 v3, $0x2  }
0x4c: {  	v3 =	vand.u32 $0x7, v3;
	v4 =	vand.u32 $0xFFFFFFE0, v49  }
0x4d: {  	v3 =	vor.u32 v3, v4  }
0x4e: {  	v4 =	vperm.xlane v3, v0;
	_ =	sdelay $0x1  }
0x4f: {  	v4 =	vadd.s32 v1, v4;
	_ =	sdelay $0x1  }
0x50: {  	v3 =	vperm.xlane v3, v2;
	_ =	sdelay $0x1  }
0x51: {  	s4 =	simm.s32 $0xA000;
	v3 =	vadd.s32 v1, v3  }
0x52: {  	[tilespmem:s4], [sflag:$0x1] =	stream.indirect_vreg.gather [hbm4b:s2+s3], $0x80, v4, vm0, $0xb8;
	[tilespmem:$0x1C000] =	vst v63  }
0x53: {  	s4 =	simm.s32 $0xA800  }
0x54: {  	[tilespmem:s4], [sflag:$0x1] =	stream.indirect_vreg.gather [hbm4b:s5+s3], $0x80, v4, vm0, $0xb8;
	[tilespmem:$0x1C000] =	vst v63  }
0x55: {  	s4 =	simm.s32 $0xB000  }
0x56: {  	[tilespmem:s4], [sflag:$0x1] =	stream.indirect_vreg.gather [hbm4b:s2+s3], $0x80, v3, vm0, $0xb8;
	[tilespmem:$0x1C000] =	vst v63  }
0x57: {  	s4 =	simm.s32 $0xB800  }
0x58: {  	[tilespmem:s4], [sflag:$0x1] =	stream.indirect_vreg.gather [hbm4b:s5+s3], $0x80, v3, vm0, $0xb8;
	[tilespmem:$0x1C000] =	vst v63  }
0x59: {  	v3 =	vld [tilespmem:$0x40];
	_ =	sdelay $0x4  }
0x5a: {  	v50 =	vshll.u32 v3, $0x2  }
0x5b: {  	v3 =	vand.u32 $0x7, v3;
	v4 =	vand.u32 $0xFFFFFFE0, v50  }
0x5c: {  	v3 =	vor.u32 v3, v4  }
0x5d: {  	v4 =	vperm.xlane v3, v0;
	_ =	sdelay $0x1  }
0x5e: {  	v4 =	vadd.s32 v1, v4;
	_ =	sdelay $0x1  }
0x5f: {  	v3 =	vperm.xlane v3, v2;
	_ =	sdelay $0x1  }
0x60: {  	v3 =	vadd.s32 v1, v3  }
0x61: {  	[tilespmem:s1], [sflag:$0x1] =	stream.indirect_vreg.gather [hbm4b:s2+s3], $0x80, v4, vm0, $0xb8;
	[tilespmem:$0x1C000] =	vst v63  }
0x62: {  	_ = 	snop  }
0x63: {  	[tilespmem:s6], [sflag:$0x1] =	stream.indirect_vreg.gather [hbm4b:s5+s3], $0x80, v4, vm0, $0xb8;
	[tilespmem:$0x1C000] =	vst v63  }
0x64: {  	_ = 	snop  }
0x65: {  	[tilespmem:s7], [sflag:$0x1] =	stream.indirect_vreg.gather [hbm4b:s2+s3], $0x80, v3, vm0, $0xb8;
	[tilespmem:$0x1C000] =	vst v63  }
0x66: {  	_ = 	snop  }
0x67: {  	[tilespmem:s8], [sflag:$0x1] =	stream.indirect_vreg.gather [hbm4b:s5+s3], $0x80, v3, vm0, $0xb8;
	[tilespmem:$0x1C000] =	vst v63  }
0x68: {  	v3 =	vld [tilespmem:$0x50];
	_ =	sdelay $0x4  }
0x69: {  	v51 =	vshll.u32 v3, $0x2  }
0x6a: {  	v3 =	vand.u32 $0x7, v3;
	v4 =	vand.u32 $0xFFFFFFE0, v51  }
0x6b: {  	v3 =	vor.u32 v3, v4  }
0x6c: {  	v4 =	vperm.xlane v3, v0;
	_ =	sdelay $0x1  }
0x6d: {  	v4 =	vadd.s32 v1, v4;
	_ =	sdelay $0x1  }
0x6e: {  	v3 =	vperm.xlane v3, v2;
	_ =	sdelay $0x1  }
0x6f: {  	v3 =	vadd.s32 v1, v3  }
0x70: {  	[tilespmem:s9], [sflag:$0x1] =	stream.indirect_vreg.gather [hbm4b:s2+s3], $0x80, v4, vm0, $0xb8;
	[tilespmem:$0x1C000] =	vst v63  }
0x71: {  	_ = 	snop  }
0x72: {  	[tilespmem:s14], [sflag:$0x1] =	stream.indirect_vreg.gather [hbm4b:s5+s3], $0x80, v4, vm0, $0xb8;
	[tilespmem:$0x1C000] =	vst v63  }
0x73: {  	_ = 	snop  }
0x74: {  	[tilespmem:s16], [sflag:$0x1] =	stream.indirect_vreg.gather [hbm4b:s2+s3], $0x80, v3, vm0, $0xb8;
	[tilespmem:$0x1C000] =	vst v63  }
0x75: {  	_ = 	snop  }
0x76: {  	[tilespmem:s17], [sflag:$0x1] =	stream.indirect_vreg.gather [hbm4b:s5+s3], $0x80, v3, vm0, $0xb8;
	[tilespmem:$0x1C000] =	vst v63  }
0x77: {  	_ =	swait.ge [sflag:s10], $0xC000  }
0x78: {  	[sflag:s10] =	ssyncset.done $0x0  }
0x79: {  	s1 =	rddreg [dreg:$0x6];
	[sflag:s10] =	ssyncadd.s32 $0xFFFF4000  }
0x7a: {  	[hbm4b:s1+s3] =	stream.linear.scatter [tilespmem:s15], [sflag:$0x3], $0xC000, $0x38;
	[tilespmem:$0x1C000] =	vst v63  }
0x7b: {  	v3 =	vld [tilespmem:$0x60];
	_ =	sdelay $0x4  }
0x7c: {  	v52 =	vshll.u32 v3, $0x2  }
0x7d: {  	v3 =	vand.u32 $0x7, v3;
	v4 =	vand.u32 $0xFFFFFFE0, v52  }
0x7e: {  	v3 =	vor.u32 v3, v4  }
0x7f: {  	v4 =	vperm.xlane v3, v0;
	_ =	sdelay $0x1  }
0x80: {  	v4 =	vadd.s32 v1, v4;
	_ =	sdelay $0x1  }
0x81: {  	v3 =	vperm.xlane v3, v2;
	_ =	sdelay $0x1  }
0x82: {  	v3 =	vadd.s32 v1, v3  }
0x83: {  	[tilespmem:s11], [sflag:$0x2] =	stream.indirect_vreg.gather [hbm4b:s2+s3], $0x80, v4, vm0, $0xb8;
	[tilespmem:$0x1C000] =	vst v63  }
0x84: {  	s6 =	simm.s32 $0x10800  }
0x85: {  	[tilespmem:s6], [sflag:$0x2] =	stream.indirect_vreg.gather [hbm4b:s5+s3], $0x80, v4, vm0, $0xb8;
	[tilespmem:$0x1C000] =	vst v63  }
0x86: {  	s7 =	simm.s32 $0x11000  }
0x87: {  	[tilespmem:s7], [sflag:$0x2] =	stream.indirect_vreg.gather [hbm4b:s2+s3], $0x80, v3, vm0, $0xb8;
	[tilespmem:$0x1C000] =	vst v63  }
0x88: {  	s8 =	simm.s32 $0x11800  }
0x89: {  	[tilespmem:s8], [sflag:$0x2] =	stream.indirect_vreg.gather [hbm4b:s5+s3], $0x80, v3, vm0, $0xb8;
	[tilespmem:$0x1C000] =	vst v63  }
0x8a: {  	v3 =	vld [tilespmem:$0x70];
	_ =	sdelay $0x4  }
0x8b: {  	v53 =	vshll.u32 v3, $0x2  }
0x8c: {  	v3 =	vand.u32 $0x7, v3;
	v4 =	vand.u32 $0xFFFFFFE0, v53  }
0x8d: {  	v3 =	vor.u32 v3, v4  }
0x8e: {  	v4 =	vperm.xlane v3, v0;
	_ =	sdelay $0x1  }
0x8f: {  	v4 =	vadd.s32 v1, v4;
	_ =	sdelay $0x1  }
0x90: {  	v3 =	vperm.xlane v3, v2;
	_ =	sdelay $0x1  }
0x91: {  	s9 =	simm.s32 $0x12000;
	v3 =	vadd.s32 v1, v3  }
0x92: {  	[tilespmem:s9], [sflag:$0x2] =	stream.indirect_vreg.gather [hbm4b:s2+s3], $0x80, v4, vm0, $0xb8;
	[tilespmem:$0x1C000] =	vst v63  }
0x93: {  	s14 =	simm.s32 $0x12800  }
0x94: {  	[tilespmem:s14], [sflag:$0x2] =	stream.indirect_vreg.gather [hbm4b:s5+s3], $0x80, v4, vm0, $0xb8;
	[tilespmem:$0x1C000] =	vst v63  }
0x95: {  	s16 =	simm.s32 $0x13000  }
0x96: {  	[tilespmem:s16], [sflag:$0x2] =	stream.indirect_vreg.gather [hbm4b:s2+s3], $0x80, v3, vm0, $0xb8;
	[tilespmem:$0x1C000] =	vst v63  }
0x97: {  	s17 =	simm.s32 $0x13800  }
0x98: {  	[tilespmem:s17], [sflag:$0x2] =	stream.indirect_vreg.gather [hbm4b:s5+s3], $0x80, v3, vm0, $0xb8;
	[tilespmem:$0x1C000] =	vst v63  }
0x99: {  	v3 =	vld [tilespmem:$0x80];
	_ =	sdelay $0x4  }
0x9a: {  	v54 =	vshll.u32 v3, $0x2  }
0x9b: {  	v3 =	vand.u32 $0x7, v3;
	v4 =	vand.u32 $0xFFFFFFE0, v54  }
0x9c: {  	v3 =	vor.u32 v3, v4  }
0x9d: {  	v4 =	vperm.xlane v3, v0;
	_ =	sdelay $0x1  }
0x9e: {  	v4 =	vadd.s32 v1, v4;
	_ =	sdelay $0x1  }
0x9f: {  	v3 =	vperm.xlane v3, v2;
	_ =	sdelay $0x1  }
0xa0: {  	s4 =	simm.s32 $0x14000;
	v3 =	vadd.s32 v1, v3  }
0xa1: {  	[tilespmem:s4], [sflag:$0x2] =	stream.indirect_vreg.gather [hbm4b:s2+s3], $0x80, v4, vm0, $0xb8;
	[tilespmem:$0x1C000] =	vst v63  }
0xa2: {  	s6 =	simm.s32 $0x14800  }
0xa3: {  	[tilespmem:s6], [sflag:$0x2] =	stream.indirect_vreg.gather [hbm4b:s5+s3], $0x80, v4, vm0, $0xb8;
	[tilespmem:$0x1C000] =	vst v63  }
0xa4: {  	s7 =	simm.s32 $0x15000  }
0xa5: {  	[tilespmem:s7], [sflag:$0x2] =	stream.indirect_vreg.gather [hbm4b:s2+s3], $0x80, v3, vm0, $0xb8;
	[tilespmem:$0x1C000] =	vst v63  }
0xa6: {  	s8 =	simm.s32 $0x15800  }
0xa7: {  	[tilespmem:s8], [sflag:$0x2] =	stream.indirect_vreg.gather [hbm4b:s5+s3], $0x80, v3, vm0, $0xb8;
	[tilespmem:$0x1C000] =	vst v63  }
0xa8: {  	v3 =	vld [tilespmem:$0x90];
	_ =	sdelay $0x4  }
0xa9: {  	v55 =	vshll.u32 v3, $0x2  }
0xaa: {  	v3 =	vand.u32 $0x7, v3;
	v4 =	vand.u32 $0xFFFFFFE0, v55  }
0xab: {  	v3 =	vor.u32 v3, v4  }
0xac: {  	v4 =	vperm.xlane v3, v0;
	_ =	sdelay $0x1  }
0xad: {  	v4 =	vadd.s32 v1, v4;
	_ =	sdelay $0x1  }
0xae: {  	v3 =	vperm.xlane v3, v2;
	_ =	sdelay $0x1  }
0xaf: {  	s9 =	simm.s32 $0x16000;
	v3 =	vadd.s32 v1, v3  }
0xb0: {  	[tilespmem:s9], [sflag:$0x2] =	stream.indirect_vreg.gather [hbm4b:s2+s3], $0x80, v4, vm0, $0xb8;
	[tilespmem:$0x1C000] =	vst v63  }
0xb1: {  	s14 =	simm.s32 $0x16800  }
0xb2: {  	[tilespmem:s14], [sflag:$0x2] =	stream.indirect_vreg.gather [hbm4b:s5+s3], $0x80, v4, vm0, $0xb8;
	[tilespmem:$0x1C000] =	vst v63  }
0xb3: {  	s16 =	simm.s32 $0x17000  }
0xb4: {  	[tilespmem:s16], [sflag:$0x2] =	stream.indirect_vreg.gather [hbm4b:s2+s3], $0x80, v3, vm0, $0xb8;
	[tilespmem:$0x1C000] =	vst v63  }
0xb5: {  	s17 =	simm.s32 $0x17800  }
0xb6: {  	[tilespmem:s17], [sflag:$0x2] =	stream.indirect_vreg.gather [hbm4b:s5+s3], $0x80, v3, vm0, $0xb8;
	[tilespmem:$0x1C000] =	vst v63  }
0xb7: {  	v3 =	vld [tilespmem:$0xA0];
	_ =	sdelay $0x4  }
0xb8: {  	v56 =	vshll.u32 v3, $0x2  }
0xb9: {  	v3 =	vand.u32 $0x7, v3;
	v4 =	vand.u32 $0xFFFFFFE0, v56  }
0xba: {  	v3 =	vor.u32 v3, v4  }
0xbb: {  	v4 =	vperm.xlane v3, v0;
	_ =	sdelay $0x1  }
0xbc: {  	v4 =	vadd.s32 v1, v4;
	_ =	sdelay $0x1  }
0xbd: {  	v3 =	vperm.xlane v3, v2;
	_ =	sdelay $0x1  }
0xbe: {  	s4 =	simm.s32 $0x18000;
	v3 =	vadd.s32 v1, v3  }
0xbf: {  	[tilespmem:s4], [sflag:$0x2] =	stream.indirect_vreg.gather [hbm4b:s2+s3], $0x80, v4, vm0, $0xb8;
	[tilespmem:$0x1C000] =	vst v63  }
0xc0: {  	s6 =	simm.s32 $0x18800  }
0xc1: {  	[tilespmem:s6], [sflag:$0x2] =	stream.indirect_vreg.gather [hbm4b:s5+s3], $0x80, v4, vm0, $0xb8;
	[tilespmem:$0x1C000] =	vst v63  }
0xc2: {  	s7 =	simm.s32 $0x19000  }
0xc3: {  	[tilespmem:s7], [sflag:$0x2] =	stream.indirect_vreg.gather [hbm4b:s2+s3], $0x80, v3, vm0, $0xb8;
	[tilespmem:$0x1C000] =	vst v63  }
0xc4: {  	s8 =	simm.s32 $0x19800  }
0xc5: {  	[tilespmem:s8], [sflag:$0x2] =	stream.indirect_vreg.gather [hbm4b:s5+s3], $0x80, v3, vm0, $0xb8;
	[tilespmem:$0x1C000] =	vst v63  }
0xc6: {  	v3 =	vld [tilespmem:$0xB0];
	_ =	sdelay $0x4  }
0xc7: {  	v57 =	vshll.u32 v3, $0x2  }
0xc8: {  	v3 =	vand.u32 $0x7, v3;
	v4 =	vand.u32 $0xFFFFFFE0, v57  }
0xc9: {  	v3 =	vor.u32 v3, v4  }
0xca: {  	v4 =	vperm.xlane v3, v0;
	_ =	sdelay $0x1  }
0xcb: {  	v4 =	vadd.s32 v1, v4;
	_ =	sdelay $0x1  }
0xcc: {  	v3 =	vperm.xlane v3, v2;
	_ =	sdelay $0x1  }
0xcd: {  	s9 =	simm.s32 $0x1A000;
	v3 =	vadd.s32 v1, v3  }
0xce: {  	[tilespmem:s9], [sflag:$0x2] =	stream.indirect_vreg.gather [hbm4b:s2+s3], $0x80, v4, vm0, $0xb8;
	[tilespmem:$0x1C000] =	vst v63  }
0xcf: {  	s14 =	simm.s32 $0x1A800  }
0xd0: {  	[tilespmem:s14], [sflag:$0x2] =	stream.indirect_vreg.gather [hbm4b:s5+s3], $0x80, v4, vm0, $0xb8;
	[tilespmem:$0x1C000] =	vst v63  }
0xd1: {  	s16 =	simm.s32 $0x1B000  }
0xd2: {  	[tilespmem:s16], [sflag:$0x2] =	stream.indirect_vreg.gather [hbm4b:s2+s3], $0x80, v3, vm0, $0xb8;
	[tilespmem:$0x1C000] =	vst v63  }
0xd3: {  	s17 =	simm.s32 $0x1B800  }
0xd4: {  	[tilespmem:s17], [sflag:$0x2] =	stream.indirect_vreg.gather [hbm4b:s5+s3], $0x80, v3, vm0, $0xb8;
	[tilespmem:$0x1C000] =	vst v63  }
0xd5: {  	_ =	swait.ge [sflag:s0], $0xC000  }
0xd6: {  	[sflag:s0] =	ssyncset.done $0x0  }
0xd7: {  	s1 =	rddreg [dreg:$0x7];
	[sflag:s0] =	ssyncadd.s32 $0xFFFF4000  }
0xd8: {  	[hbm4b:s1+s3] =	stream.linear.scatter [tilespmem:s11], [sflag:$0x4], $0xC000, $0x38;
	[tilespmem:$0x1C000] =	vst v63  }
0xd9: {  	_ =	swait.ge [sflag:s26], $0xC000  }
0xda: {  	[sflag:s26] =	ssyncset.done $0x0  }
0xdb: {  	[sflag:s26] =	ssyncadd.s32 $0xFFFF4000  }
0xdc: {  	v3 =	vld [tilespmem:$0xC0];
	_ =	sdelay $0x4  }
0xdd: {  	v58 =	vshll.u32 v3, $0x2  }
0xde: {  	v3 =	vand.u32 $0x7, v3;
	v4 =	vand.u32 $0xFFFFFFE0, v58  }
0xdf: {  	v3 =	vor.u32 v3, v4  }
0xe0: {  	v4 =	vperm.xlane v3, v0;
	_ =	sdelay $0x1  }
0xe1: {  	v4 =	vadd.s32 v1, v4;
	_ =	sdelay $0x1  }
0xe2: {  	v3 =	vperm.xlane v3, v2;
	_ =	sdelay $0x1  }
0xe3: {  	v3 =	vadd.s32 v1, v3  }
0xe4: {  	[tilespmem:s15], [sflag:$0x1] =	stream.indirect_vreg.gather [hbm4b:s2+s3], $0x80, v4, vm0, $0xb8;
	[tilespmem:$0x1C000] =	vst v63  }
0xe5: {  	_ = 	snop  }
0xe6: {  	[tilespmem:s13], [sflag:$0x1] =	stream.indirect_vreg.gather [hbm4b:s5+s3], $0x80, v4, vm0, $0xb8;
	[tilespmem:$0x1C000] =	vst v63  }
0xe7: {  	_ = 	snop  }
0xe8: {  	[tilespmem:s28], [sflag:$0x1] =	stream.indirect_vreg.gather [hbm4b:s2+s3], $0x80, v3, vm0, $0xb8;
	[tilespmem:$0x1C000] =	vst v63  }
0xe9: {  	_ = 	snop  }
0xea: {  	[tilespmem:s29], [sflag:$0x1] =	stream.indirect_vreg.gather [hbm4b:s5+s3], $0x80, v3, vm0, $0xb8;
	[tilespmem:$0x1C000] =	vst v63  }
0xeb: {  	v3 =	vld [tilespmem:$0xD0];
	_ =	sdelay $0x4  }
0xec: {  	v59 =	vshll.u32 v3, $0x2  }
0xed: {  	v3 =	vand.u32 $0x7, v3;
	v4 =	vand.u32 $0xFFFFFFE0, v59  }
0xee: {  	v3 =	vor.u32 v3, v4  }
0xef: {  	v4 =	vperm.xlane v3, v0;
	_ =	sdelay $0x1  }
0xf0: {  	v4 =	vadd.s32 v1, v4;
	_ =	sdelay $0x1  }
0xf1: {  	v3 =	vperm.xlane v3, v2;
	_ =	sdelay $0x1  }
0xf2: {  	v3 =	vadd.s32 v1, v3  }
0xf3: {  	[tilespmem:s18], [sflag:$0x1] =	stream.indirect_vreg.gather [hbm4b:s2+s3], $0x80, v4, vm0, $0xb8;
	[tilespmem:$0x1C000] =	vst v63  }
0xf4: {  	_ = 	snop  }
0xf5: {  	[tilespmem:s19], [sflag:$0x1] =	stream.indirect_vreg.gather [hbm4b:s5+s3], $0x80, v4, vm0, $0xb8;
	[tilespmem:$0x1C000] =	vst v63  }
0xf6: {  	_ = 	snop  }
0xf7: {  	[tilespmem:s20], [sflag:$0x1] =	stream.indirect_vreg.gather [hbm4b:s2+s3], $0x80, v3, vm0, $0xb8;
	[tilespmem:$0x1C000] =	vst v63  }
0xf8: {  	_ = 	snop  }
0xf9: {  	[tilespmem:s21], [sflag:$0x1] =	stream.indirect_vreg.gather [hbm4b:s5+s3], $0x80, v3, vm0, $0xb8;
	[tilespmem:$0x1C000] =	vst v63  }
0xfa: {  	v3 =	vld [tilespmem:$0xE0];
	_ =	sdelay $0x4  }
0xfb: {  	v60 =	vshll.u32 v3, $0x2  }
0xfc: {  	v3 =	vand.u32 $0x7, v3;
	v4 =	vand.u32 $0xFFFFFFE0, v60  }
0xfd: {  	v3 =	vor.u32 v3, v4  }
0xfe: {  	v4 =	vperm.xlane v3, v0;
	_ =	sdelay $0x1  }
0xff: {  	v4 =	vadd.s32 v1, v4;
	_ =	sdelay $0x1  }
0x100: {  	v3 =	vperm.xlane v3, v2;
	_ =	sdelay $0x1  }
0x101: {  	v3 =	vadd.s32 v1, v3  }
0x102: {  	[tilespmem:s22], [sflag:$0x1] =	stream.indirect_vreg.gather [hbm4b:s2+s3], $0x80, v4, vm0, $0xb8;
	[tilespmem:$0x1C000] =	vst v63  }
0x103: {  	_ = 	snop  }
0x104: {  	[tilespmem:s23], [sflag:$0x1] =	stream.indirect_vreg.gather [hbm4b:s5+s3], $0x80, v4, vm0, $0xb8;
	[tilespmem:$0x1C000] =	vst v63  }
0x105: {  	_ = 	snop  }
0x106: {  	[tilespmem:s24], [sflag:$0x1] =	stream.indirect_vreg.gather [hbm4b:s2+s3], $0x80, v3, vm0, $0xb8;
	[tilespmem:$0x1C000] =	vst v63  }
0x107: {  	s4 =	simm.s32 $0x9800  }
0x108: {  	[tilespmem:s4], [sflag:$0x1] =	stream.indirect_vreg.gather [hbm4b:s5+s3], $0x80, v3, vm0, $0xb8;
	[tilespmem:$0x1C000] =	vst v63  }
0x109: {  	v3 =	vld [tilespmem:$0xF0];
	_ =	sdelay $0x4  }
0x10a: {  	v61 =	vshll.u32 v3, $0x2  }
0x10b: {  	v3 =	vand.u32 $0x7, v3;
	v4 =	vand.u32 $0xFFFFFFE0, v61  }
0x10c: {  	v3 =	vor.u32 v3, v4  }
0x10d: {  	v4 =	vperm.xlane v3, v0;
	_ =	sdelay $0x1  }
0x10e: {  	v4 =	vadd.s32 v1, v4;
	_ =	sdelay $0x1  }
0x10f: {  	v3 =	vperm.xlane v3, v2;
	_ =	sdelay $0x1  }
0x110: {  	s8 =	simm.s32 $0xA000;
	v3 =	vadd.s32 v1, v3  }
0x111: {  	[tilespmem:s8], [sflag:$0x1] =	stream.indirect_vreg.gather [hbm4b:s2+s3], $0x80, v4, vm0, $0xb8;
	[tilespmem:$0x1C000] =	vst v63  }
0x112: {  	s13 =	simm.s32 $0xA800  }
0x113: {  	[tilespmem:s13], [sflag:$0x1] =	stream.indirect_vreg.gather [hbm4b:s5+s3], $0x80, v4, vm0, $0xb8;
	[tilespmem:$0x1C000] =	vst v63  }
0x114: {  	s23 =	simm.s32 $0xB000  }
0x115: {  	[tilespmem:s23], [sflag:$0x1] =	stream.indirect_vreg.gather [hbm4b:s2+s3], $0x80, v3, vm0, $0xb8;
	[tilespmem:$0x1C000] =	vst v63  }
0x116: {  	s29 =	simm.s32 $0xB800  }
0x117: {  	[tilespmem:s29], [sflag:$0x1] =	stream.indirect_vreg.gather [hbm4b:s5+s3], $0x80, v3, vm0, $0xb8;
	[tilespmem:$0x1C000] =	vst v63  }
0x118: {  	v3 =	vld [tilespmem:$0x100];
	_ =	sdelay $0x4  }
0x119: {  	v62 =	vshll.u32 v3, $0x2  }
0x11a: {  	v3 =	vand.u32 $0x7, v3;
	v4 =	vand.u32 $0xFFFFFFE0, v62  }
0x11b: {  	v3 =	vor.u32 v3, v4  }
0x11c: {  	v4 =	vperm.xlane v3, v0;
	_ =	sdelay $0x1  }
0x11d: {  	v4 =	vadd.s32 v1, v4;
	_ =	sdelay $0x1  }
0x11e: {  	v3 =	vperm.xlane v3, v2;
	_ =	sdelay $0x1  }
0x11f: {  	s1 =	simm.s32 $0xC000;
	v3 =	vadd.s32 v1, v3  }
0x120: {  	[tilespmem:s1], [sflag:$0x1] =	stream.indirect_vreg.gather [hbm4b:s2+s3], $0x80, v4, vm0, $0xb8;
	[tilespmem:$0x1C000] =	vst v63  }
0x121: {  	s24 =	simm.s32 $0xC800  }
0x122: {  	[tilespmem:s24], [sflag:$0x1] =	stream.indirect_vreg.gather [hbm4b:s5+s3], $0x80, v4, vm0, $0xb8;
	[tilespmem:$0x1C000] =	vst v63  }
0x123: {  	_ = 	snop  }
0x124: {  	[tilespmem:s25], [sflag:$0x1] =	stream.indirect_vreg.gather [hbm4b:s2+s3], $0x80, v3, vm0, $0xb8;
	[tilespmem:$0x1C000] =	vst v63  }
0x125: {  	s6 =	simm.s32 $0xD800  }
0x126: {  	[tilespmem:s6], [sflag:$0x1] =	stream.indirect_vreg.gather [hbm4b:s5+s3], $0x80, v3, vm0, $0xb8;
	[tilespmem:$0x1C000] =	vst v63  }
0x127: {  	v3 =	vld [tilespmem:$0x110];
	_ =	sdelay $0x4  }
0x128: {  	v63 =	vshll.u32 v3, $0x2  }
0x129: {  	v3 =	vand.u32 $0x7, v3;
	v4 =	vand.u32 $0xFFFFFFE0, v63  }
0x12a: {  	v3 =	vor.u32 v3, v4  }
0x12b: {  	v4 =	vperm.xlane v3, v0;
	_ =	sdelay $0x1  }
0x12c: {  	v4 =	vadd.s32 v1, v4;
	_ =	sdelay $0x1  }
0x12d: {  	v3 =	vperm.xlane v3, v2  }
0x12e: {  	s7 =	simm.s32 $0xE000;
	s9 =	simm.s32 $0xF000  }
0x12f: {  	s14 =	simm.s32 $0xF800;
	s16 =	simm.s32 $0x5000;
	s17 =	simm.s32 $0x6800;
	v3 =	vadd.s32 v1, v3  }
0x130: {  	[tilespmem:s7], [sflag:$0x1] =	stream.indirect_vreg.gather [hbm4b:s2+s3], $0x80, v4, vm0, $0xb8;
	[tilespmem:$0x1C000] =	vst v63  }
0x131: {  	s28 =	simm.s32 $0xFFF07000;
	s18 =	simm.s32 $0x7800;
	s8 =	simm.s32 $0xE800  }
0x132: {  	[tilespmem:s8], [sflag:$0x1] =	stream.indirect_vreg.gather [hbm4b:s5+s3], $0x80, v4, vm0, $0xb8;
	[tilespmem:$0x1C000] =	vst v63  }
0x133: {  	s19 =	simm.s32 $0x8800;
	s20 =	simm.s32 $0x9000;
	s21 =	simm.s32 $0x9800  }
0x134: {  	[tilespmem:s9], [sflag:$0x1] =	stream.indirect_vreg.gather [hbm4b:s2+s3], $0x80, v3, vm0, $0xb8;
	[tilespmem:$0x1C000] =	vst v63  }
0x135: {  	s22 =	simm.s32 $0xA800;
	s13 =	simm.s32 $0x1D0;
	s23 =	simm.s32 $0xB800  }
0x136: {  	[tilespmem:s14], [sflag:$0x1] =	stream.indirect_vreg.gather [hbm4b:s5+s3], $0x80, v3, vm0, $0xb8;
	[tilespmem:$0x1C000] =	vst v63  }
.LBB2_2:
0x137: {  	_ =	swait.ge [sflag:s10], $0xC000  }
0x138: {  	s29 =	rddreg [dreg:$0x4]  }
0x139: {  	[sflag:s10] =	ssyncset.done $0x0;
	s29 =	sadd.s32 s28, s29  }
0x13a: {  	[sflag:s10] =	ssyncadd.s32 $0xFFFF4000;
	s4 =	sadd.s32 $0xFC000, s29  }
0x13b: {  	[hbm4b:s4+s3] =	stream.linear.scatter [tilespmem:s15], [sflag:$0x3], $0xC000, $0x38;
	[tilespmem:$0x1C000] =	vst v63  }
0x13c: {  	_ =	swait.ge [sflag:s12], $0xC000  }
0x13d: {  	[sflag:s12] =	ssyncset.done $0x0  }
0x13e: {  	[sflag:s12] =	ssyncadd.s32 $0xFFFF4000  }
0x13f: {  	v3 =	vld [tilespmem:s13+$0xFFFFFF50];
	_ =	sdelay $0x4  }
0x140: {  	v4 =	vshll.u32 v3, $0x2  }
0x141: {  	v3 =	vand.u32 $0x7, v3;
	v4 =	vand.u32 $0xFFFFFFE0, v4  }
0x142: {  	v3 =	vor.u32 v3, v4  }
0x143: {  	v4 =	vperm.xlane v3, v0;
	_ =	sdelay $0x1  }
0x144: {  	v4 =	vadd.s32 v1, v4;
	_ =	sdelay $0x1  }
0x145: {  	v3 =	vperm.xlane v3, v2;
	_ =	sdelay $0x1  }
0x146: {  	v3 =	vadd.s32 v1, v3  }
0x147: {  	[tilespmem:s11], [sflag:$0x2] =	stream.indirect_vreg.gather [hbm4b:s2+s3], $0x80, v4, vm0, $0xb8;
	[tilespmem:$0x1C000] =	vst v63  }
0x148: {  	s4 =	simm.s32 $0x10800  }
0x149: {  	[tilespmem:s4], [sflag:$0x2] =	stream.indirect_vreg.gather [hbm4b:s5+s3], $0x80, v4, vm0, $0xb8;
	[tilespmem:$0x1C000] =	vst v63  }
0x14a: {  	s4 =	simm.s32 $0x11000  }
0x14b: {  	[tilespmem:s4], [sflag:$0x2] =	stream.indirect_vreg.gather [hbm4b:s2+s3], $0x80, v3, vm0, $0xb8;
	[tilespmem:$0x1C000] =	vst v63  }
0x14c: {  	s4 =	simm.s32 $0x11800  }
0x14d: {  	[tilespmem:s4], [sflag:$0x2] =	stream.indirect_vreg.gather [hbm4b:s5+s3], $0x80, v3, vm0, $0xb8;
	[tilespmem:$0x1C000] =	vst v63  }
0x14e: {  	v3 =	vld [tilespmem:s13+$0xFFFFFF60];
	_ =	sdelay $0x4  }
0x14f: {  	v53 =	vshll.u32 v3, $0x2  }
0x150: {  	v3 =	vand.u32 $0x7, v3;
	v4 =	vand.u32 $0xFFFFFFE0, v53  }
0x151: {  	v3 =	vor.u32 v3, v4  }
0x152: {  	v4 =	vperm.xlane v3, v0;
	_ =	sdelay $0x1  }
0x153: {  	v4 =	vadd.s32 v1, v4;
	_ =	sdelay $0x1  }
0x154: {  	v3 =	vperm.xlane v3, v2;
	_ =	sdelay $0x1  }
0x155: {  	s4 =	simm.s32 $0x12000;
	v3 =	vadd.s32 v1, v3  }
0x156: {  	[tilespmem:s4], [sflag:$0x2] =	stream.indirect_vreg.gather [hbm4b:s2+s3], $0x80, v4, vm0, $0xb8;
	[tilespmem:$0x1C000] =	vst v63  }
0x157: {  	s4 =	simm.s32 $0x12800  }
0x158: {  	[tilespmem:s4], [sflag:$0x2] =	stream.indirect_vreg.gather [hbm4b:s5+s3], $0x80, v4, vm0, $0xb8;
	[tilespmem:$0x1C000] =	vst v63  }
0x159: {  	s4 =	simm.s32 $0x13000  }
0x15a: {  	[tilespmem:s4], [sflag:$0x2] =	stream.indirect_vreg.gather [hbm4b:s2+s3], $0x80, v3, vm0, $0xb8;
	[tilespmem:$0x1C000] =	vst v63  }
0x15b: {  	s4 =	simm.s32 $0x13800  }
0x15c: {  	[tilespmem:s4], [sflag:$0x2] =	stream.indirect_vreg.gather [hbm4b:s5+s3], $0x80, v3, vm0, $0xb8;
	[tilespmem:$0x1C000] =	vst v63  }
0x15d: {  	v3 =	vld [tilespmem:s13+$0xFFFFFF70];
	_ =	sdelay $0x4  }
0x15e: {  	v54 =	vshll.u32 v3, $0x2  }
0x15f: {  	v3 =	vand.u32 $0x7, v3;
	v4 =	vand.u32 $0xFFFFFFE0, v54  }
0x160: {  	v3 =	vor.u32 v3, v4  }
0x161: {  	v4 =	vperm.xlane v3, v0;
	_ =	sdelay $0x1  }
0x162: {  	v4 =	vadd.s32 v1, v4;
	_ =	sdelay $0x1  }
0x163: {  	v3 =	vperm.xlane v3, v2;
	_ =	sdelay $0x1  }
0x164: {  	s4 =	simm.s32 $0x14000;
	v3 =	vadd.s32 v1, v3  }
0x165: {  	[tilespmem:s4], [sflag:$0x2] =	stream.indirect_vreg.gather [hbm4b:s2+s3], $0x80, v4, vm0, $0xb8;
	[tilespmem:$0x1C000] =	vst v63  }
0x166: {  	s4 =	simm.s32 $0x14800  }
0x167: {  	[tilespmem:s4], [sflag:$0x2] =	stream.indirect_vreg.gather [hbm4b:s5+s3], $0x80, v4, vm0, $0xb8;
	[tilespmem:$0x1C000] =	vst v63  }
0x168: {  	s4 =	simm.s32 $0x15000  }
0x169: {  	[tilespmem:s4], [sflag:$0x2] =	stream.indirect_vreg.gather [hbm4b:s2+s3], $0x80, v3, vm0, $0xb8;
	[tilespmem:$0x1C000] =	vst v63  }
0x16a: {  	s4 =	simm.s32 $0x15800  }
0x16b: {  	[tilespmem:s4], [sflag:$0x2] =	stream.indirect_vreg.gather [hbm4b:s5+s3], $0x80, v3, vm0, $0xb8;
	[tilespmem:$0x1C000] =	vst v63  }
0x16c: {  	v3 =	vld [tilespmem:s13+$0xFFFFFF80];
	_ =	sdelay $0x4  }
0x16d: {  	v55 =	vshll.u32 v3, $0x2  }
0x16e: {  	v3 =	vand.u32 $0x7, v3;
	v4 =	vand.u32 $0xFFFFFFE0, v55  }
0x16f: {  	v3 =	vor.u32 v3, v4  }
0x170: {  	v4 =	vperm.xlane v3, v0;
	_ =	sdelay $0x1  }
0x171: {  	v4 =	vadd.s32 v1, v4;
	_ =	sdelay $0x1  }
0x172: {  	v3 =	vperm.xlane v3, v2;
	_ =	sdelay $0x1  }
0x173: {  	s4 =	simm.s32 $0x16000;
	v3 =	vadd.s32 v1, v3  }
0x174: {  	[tilespmem:s4], [sflag:$0x2] =	stream.indirect_vreg.gather [hbm4b:s2+s3], $0x80, v4, vm0, $0xb8;
	[tilespmem:$0x1C000] =	vst v63  }
0x175: {  	s4 =	simm.s32 $0x16800  }
0x176: {  	[tilespmem:s4], [sflag:$0x2] =	stream.indirect_vreg.gather [hbm4b:s5+s3], $0x80, v4, vm0, $0xb8;
	[tilespmem:$0x1C000] =	vst v63  }
0x177: {  	s4 =	simm.s32 $0x17000  }
0x178: {  	[tilespmem:s4], [sflag:$0x2] =	stream.indirect_vreg.gather [hbm4b:s2+s3], $0x80, v3, vm0, $0xb8;
	[tilespmem:$0x1C000] =	vst v63  }
0x179: {  	s4 =	simm.s32 $0x17800  }
0x17a: {  	[tilespmem:s4], [sflag:$0x2] =	stream.indirect_vreg.gather [hbm4b:s5+s3], $0x80, v3, vm0, $0xb8;
	[tilespmem:$0x1C000] =	vst v63  }
0x17b: {  	v3 =	vld [tilespmem:s13+$0xFFFFFF90];
	_ =	sdelay $0x4  }
0x17c: {  	v56 =	vshll.u32 v3, $0x2  }
0x17d: {  	v3 =	vand.u32 $0x7, v3;
	v4 =	vand.u32 $0xFFFFFFE0, v56  }
0x17e: {  	v3 =	vor.u32 v3, v4  }
0x17f: {  	v4 =	vperm.xlane v3, v0;
	_ =	sdelay $0x1  }
0x180: {  	v4 =	vadd.s32 v1, v4;
	_ =	sdelay $0x1  }
0x181: {  	v3 =	vperm.xlane v3, v2;
	_ =	sdelay $0x1  }
0x182: {  	s4 =	simm.s32 $0x18000;
	v3 =	vadd.s32 v1, v3  }
0x183: {  	[tilespmem:s4], [sflag:$0x2] =	stream.indirect_vreg.gather [hbm4b:s2+s3], $0x80, v4, vm0, $0xb8;
	[tilespmem:$0x1C000] =	vst v63  }
0x184: {  	s4 =	simm.s32 $0x18800  }
0x185: {  	[tilespmem:s4], [sflag:$0x2] =	stream.indirect_vreg.gather [hbm4b:s5+s3], $0x80, v4, vm0, $0xb8;
	[tilespmem:$0x1C000] =	vst v63  }
0x186: {  	s4 =	simm.s32 $0x19000  }
0x187: {  	[tilespmem:s4], [sflag:$0x2] =	stream.indirect_vreg.gather [hbm4b:s2+s3], $0x80, v3, vm0, $0xb8;
	[tilespmem:$0x1C000] =	vst v63  }
0x188: {  	s4 =	simm.s32 $0x19800  }
0x189: {  	[tilespmem:s4], [sflag:$0x2] =	stream.indirect_vreg.gather [hbm4b:s5+s3], $0x80, v3, vm0, $0xb8;
	[tilespmem:$0x1C000] =	vst v63  }
0x18a: {  	v3 =	vld [tilespmem:s13+$0xFFFFFFA0];
	_ =	sdelay $0x4  }
0x18b: {  	v57 =	vshll.u32 v3, $0x2  }
0x18c: {  	v3 =	vand.u32 $0x7, v3;
	v4 =	vand.u32 $0xFFFFFFE0, v57  }
0x18d: {  	v3 =	vor.u32 v3, v4  }
0x18e: {  	v4 =	vperm.xlane v3, v0;
	_ =	sdelay $0x1  }
0x18f: {  	v4 =	vadd.s32 v1, v4;
	_ =	sdelay $0x1  }
0x190: {  	v3 =	vperm.xlane v3, v2;
	_ =	sdelay $0x1  }
0x191: {  	s4 =	simm.s32 $0x1A000;
	v3 =	vadd.s32 v1, v3  }
0x192: {  	[tilespmem:s4], [sflag:$0x2] =	stream.indirect_vreg.gather [hbm4b:s2+s3], $0x80, v4, vm0, $0xb8;
	[tilespmem:$0x1C000] =	vst v63  }
0x193: {  	s4 =	simm.s32 $0x1A800  }
0x194: {  	[tilespmem:s4], [sflag:$0x2] =	stream.indirect_vreg.gather [hbm4b:s5+s3], $0x80, v4, vm0, $0xb8;
	[tilespmem:$0x1C000] =	vst v63  }
0x195: {  	s4 =	simm.s32 $0x1B000  }
0x196: {  	[tilespmem:s4], [sflag:$0x2] =	stream.indirect_vreg.gather [hbm4b:s2+s3], $0x80, v3, vm0, $0xb8;
	[tilespmem:$0x1C000] =	vst v63  }
0x197: {  	s4 =	simm.s32 $0x1B800  }
0x198: {  	[tilespmem:s4], [sflag:$0x2] =	stream.indirect_vreg.gather [hbm4b:s5+s3], $0x80, v3, vm0, $0xb8;
	[tilespmem:$0x1C000] =	vst v63  }
0x199: {  	_ =	swait.ge [sflag:s0], $0xC000  }
0x19a: {  	[sflag:s0] =	ssyncset.done $0x0  }
0x19b: {  	s29 =	sadd.s32 $0xFD800, s29;
	[sflag:s0] =	ssyncadd.s32 $0xFFFF4000  }
0x19c: {  	[hbm4b:s29+s3] =	stream.linear.scatter [tilespmem:s11], [sflag:$0x4], $0xC000, $0x38;
	[tilespmem:$0x1C000] =	vst v63  }
0x19d: {  	_ =	swait.ge [sflag:s26], $0xC000  }
0x19e: {  	[sflag:s26] =	ssyncset.done $0x0  }
0x19f: {  	[sflag:s26] =	ssyncadd.s32 $0xFFFF4000  }
0x1a0: {  	v3 =	vld [tilespmem:s13+$0xFFFFFFB0];
	_ =	sdelay $0x4  }
0x1a1: {  	v58 =	vshll.u32 v3, $0x2  }
0x1a2: {  	v3 =	vand.u32 $0x7, v3;
	v4 =	vand.u32 $0xFFFFFFE0, v58  }
0x1a3: {  	v3 =	vor.u32 v3, v4  }
0x1a4: {  	v4 =	vperm.xlane v3, v0;
	_ =	sdelay $0x1  }
0x1a5: {  	v4 =	vadd.s32 v1, v4;
	_ =	sdelay $0x1  }
0x1a6: {  	v3 =	vperm.xlane v3, v2;
	_ =	sdelay $0x1  }
0x1a7: {  	v3 =	vadd.s32 v1, v3  }
0x1a8: {  	[tilespmem:s15], [sflag:$0x1] =	stream.indirect_vreg.gather [hbm4b:s2+s3], $0x80, v4, vm0, $0xb8;
	[tilespmem:$0x1C000] =	vst v63  }
0x1a9: {  	_ = 	snop  }
0x1aa: {  	[tilespmem:s30], [sflag:$0x1] =	stream.indirect_vreg.gather [hbm4b:s5+s3], $0x80, v4, vm0, $0xb8;
	[tilespmem:$0x1C000] =	vst v63  }
0x1ab: {  	_ = 	snop  }
0x1ac: {  	[tilespmem:s16], [sflag:$0x1] =	stream.indirect_vreg.gather [hbm4b:s2+s3], $0x80, v3, vm0, $0xb8;
	[tilespmem:$0x1C000] =	vst v63  }
0x1ad: {  	_ = 	snop  }
0x1ae: {  	[tilespmem:s31], [sflag:$0x1] =	stream.indirect_vreg.gather [hbm4b:s5+s3], $0x80, v3, vm0, $0xb8;
	[tilespmem:$0x1C000] =	vst v63  }
0x1af: {  	v3 =	vld [tilespmem:s13+$0xFFFFFFC0];
	_ =	sdelay $0x4  }
0x1b0: {  	v59 =	vshll.u32 v3, $0x2  }
0x1b1: {  	v3 =	vand.u32 $0x7, v3;
	v4 =	vand.u32 $0xFFFFFFE0, v59  }
0x1b2: {  	v3 =	vor.u32 v3, v4  }
0x1b3: {  	v4 =	vperm.xlane v3, v0;
	_ =	sdelay $0x1  }
0x1b4: {  	v4 =	vadd.s32 v1, v4;
	_ =	sdelay $0x1  }
0x1b5: {  	v3 =	vperm.xlane v3, v2;
	_ =	sdelay $0x1  }
0x1b6: {  	s29 =	simm.s32 $0x6000;
	v3 =	vadd.s32 v1, v3  }
0x1b7: {  	[tilespmem:s29], [sflag:$0x1] =	stream.indirect_vreg.gather [hbm4b:s2+s3], $0x80, v4, vm0, $0xb8;
	[tilespmem:$0x1C000] =	vst v63  }
0x1b8: {  	_ = 	snop  }
0x1b9: {  	[tilespmem:s17], [sflag:$0x1] =	stream.indirect_vreg.gather [hbm4b:s5+s3], $0x80, v4, vm0, $0xb8;
	[tilespmem:$0x1C000] =	vst v63  }
0x1ba: {  	s29 =	simm.s32 $0x7000  }
0x1bb: {  	[tilespmem:s29], [sflag:$0x1] =	stream.indirect_vreg.gather [hbm4b:s2+s3], $0x80, v3, vm0, $0xb8;
	[tilespmem:$0x1C000] =	vst v63  }
0x1bc: {  	_ = 	snop  }
0x1bd: {  	[tilespmem:s18], [sflag:$0x1] =	stream.indirect_vreg.gather [hbm4b:s5+s3], $0x80, v3, vm0, $0xb8;
	[tilespmem:$0x1C000] =	vst v63  }
0x1be: {  	v3 =	vld [tilespmem:s13+$0xFFFFFFD0];
	_ =	sdelay $0x4  }
0x1bf: {  	v60 =	vshll.u32 v3, $0x2  }
0x1c0: {  	v3 =	vand.u32 $0x7, v3;
	v4 =	vand.u32 $0xFFFFFFE0, v60  }
0x1c1: {  	v3 =	vor.u32 v3, v4  }
0x1c2: {  	v4 =	vperm.xlane v3, v0;
	_ =	sdelay $0x1  }
0x1c3: {  	v4 =	vadd.s32 v1, v4;
	_ =	sdelay $0x1  }
0x1c4: {  	v3 =	vperm.xlane v3, v2;
	_ =	sdelay $0x1  }
0x1c5: {  	s29 =	simm.s32 $0x8000;
	v3 =	vadd.s32 v1, v3  }
0x1c6: {  	[tilespmem:s29], [sflag:$0x1] =	stream.indirect_vreg.gather [hbm4b:s2+s3], $0x80, v4, vm0, $0xb8;
	[tilespmem:$0x1C000] =	vst v63  }
0x1c7: {  	_ = 	snop  }
0x1c8: {  	[tilespmem:s19], [sflag:$0x1] =	stream.indirect_vreg.gather [hbm4b:s5+s3], $0x80, v4, vm0, $0xb8;
	[tilespmem:$0x1C000] =	vst v63  }
0x1c9: {  	_ = 	snop  }
0x1ca: {  	[tilespmem:s20], [sflag:$0x1] =	stream.indirect_vreg.gather [hbm4b:s2+s3], $0x80, v3, vm0, $0xb8;
	[tilespmem:$0x1C000] =	vst v63  }
0x1cb: {  	_ = 	snop  }
0x1cc: {  	[tilespmem:s21], [sflag:$0x1] =	stream.indirect_vreg.gather [hbm4b:s5+s3], $0x80, v3, vm0, $0xb8;
	[tilespmem:$0x1C000] =	vst v63  }
0x1cd: {  	v3 =	vld [tilespmem:s13+$0xFFFFFFE0];
	_ =	sdelay $0x4  }
0x1ce: {  	v61 =	vshll.u32 v3, $0x2  }
0x1cf: {  	v3 =	vand.u32 $0x7, v3;
	v4 =	vand.u32 $0xFFFFFFE0, v61  }
0x1d0: {  	v3 =	vor.u32 v3, v4  }
0x1d1: {  	v4 =	vperm.xlane v3, v0;
	_ =	sdelay $0x1  }
0x1d2: {  	v4 =	vadd.s32 v1, v4;
	_ =	sdelay $0x1  }
0x1d3: {  	v3 =	vperm.xlane v3, v2;
	_ =	sdelay $0x1  }
0x1d4: {  	s29 =	simm.s32 $0xA000;
	v3 =	vadd.s32 v1, v3  }
0x1d5: {  	[tilespmem:s29], [sflag:$0x1] =	stream.indirect_vreg.gather [hbm4b:s2+s3], $0x80, v4, vm0, $0xb8;
	[tilespmem:$0x1C000] =	vst v63  }
0x1d6: {  	_ = 	snop  }
0x1d7: {  	[tilespmem:s22], [sflag:$0x1] =	stream.indirect_vreg.gather [hbm4b:s5+s3], $0x80, v4, vm0, $0xb8;
	[tilespmem:$0x1C000] =	vst v63  }
0x1d8: {  	s29 =	simm.s32 $0xB000  }
0x1d9: {  	[tilespmem:s29], [sflag:$0x1] =	stream.indirect_vreg.gather [hbm4b:s2+s3], $0x80, v3, vm0, $0xb8;
	[tilespmem:$0x1C000] =	vst v63  }
0x1da: {  	_ = 	snop  }
0x1db: {  	[tilespmem:s23], [sflag:$0x1] =	stream.indirect_vreg.gather [hbm4b:s5+s3], $0x80, v3, vm0, $0xb8;
	[tilespmem:$0x1C000] =	vst v63  }
0x1dc: {  	v3 =	vld [tilespmem:s13+$0xFFFFFFF0];
	_ =	sdelay $0x4  }
0x1dd: {  	v62 =	vshll.u32 v3, $0x2  }
0x1de: {  	v3 =	vand.u32 $0x7, v3;
	v4 =	vand.u32 $0xFFFFFFE0, v62  }
0x1df: {  	v3 =	vor.u32 v3, v4  }
0x1e0: {  	v4 =	vperm.xlane v3, v0;
	_ =	sdelay $0x1  }
0x1e1: {  	v4 =	vadd.s32 v1, v4;
	_ =	sdelay $0x1  }
0x1e2: {  	v3 =	vperm.xlane v3, v2;
	_ =	sdelay $0x1  }
0x1e3: {  	v3 =	vadd.s32 v1, v3  }
0x1e4: {  	[tilespmem:s1], [sflag:$0x1] =	stream.indirect_vreg.gather [hbm4b:s2+s3], $0x80, v4, vm0, $0xb8;
	[tilespmem:$0x1C000] =	vst v63  }
0x1e5: {  	_ = 	snop  }
0x1e6: {  	[tilespmem:s24], [sflag:$0x1] =	stream.indirect_vreg.gather [hbm4b:s5+s3], $0x80, v4, vm0, $0xb8;
	[tilespmem:$0x1C000] =	vst v63  }
0x1e7: {  	_ = 	snop  }
0x1e8: {  	[tilespmem:s25], [sflag:$0x1] =	stream.indirect_vreg.gather [hbm4b:s2+s3], $0x80, v3, vm0, $0xb8;
	[tilespmem:$0x1C000] =	vst v63  }
0x1e9: {  	_ = 	snop  }
0x1ea: {  	[tilespmem:s6], [sflag:$0x1] =	stream.indirect_vreg.gather [hbm4b:s5+s3], $0x80, v3, vm0, $0xb8;
	[tilespmem:$0x1C000] =	vst v63  }
0x1eb: {  	v3 =	vld [tilespmem:s13+$0x0];
	_ =	sdelay $0x4  }
0x1ec: {  	v63 =	vshll.u32 v3, $0x2  }
0x1ed: {  	v3 =	vand.u32 $0x7, v3;
	v4 =	vand.u32 $0xFFFFFFE0, v63  }
0x1ee: {  	v3 =	vor.u32 v3, v4  }
0x1ef: {  	v4 =	vperm.xlane v3, v0;
	_ =	sdelay $0x1  }
0x1f0: {  	v4 =	vadd.s32 v1, v4;
	_ =	sdelay $0x2  }
0x1f1: {  	v3 =	vperm.xlane v3, v2;
	_ =	sdelay $0x1  }
0x1f2: {  	v3 =	vadd.s32 v1, v3;
	[tilespmem:s7], [sflag:$0x1] =	stream.indirect_vreg.gather [hbm4b:s2+s3], $0x80, v4, vm0, $0xb8;
	[tilespmem:$0x1C000] =	vst v63  }
0x1f3: {  	p0 =	sne.s32 s28, $0xFFFFD000  }
0x1f4: {  	[tilespmem:s8], [sflag:$0x1] =	stream.indirect_vreg.gather [hbm4b:s5+s3], $0x80, v4, vm0, $0xb8;
	[tilespmem:$0x1C000] =	vst v63  }
.Ltmp0:
0x1f5: {  	_ = 	snop;
	(pc) =	sbr.rel @p0 .LBB2_2-.Ltmp0, $4  }
0x1f6: {  	_ = 	snop  }
0x1f7: {  	[tilespmem:s9], [sflag:$0x1] =	stream.indirect_vreg.gather [hbm4b:s2+s3], $0x80, v3, vm0, $0xb8;
	[tilespmem:$0x1C000] =	vst v63  }
0x1f8: {  	s28 =	sadd.s32 $0x3000, s28;
	s13 =	sadd.s32 $0xC0, s13  }
0x1f9: {  	[tilespmem:s14], [sflag:$0x1] =	stream.indirect_vreg.gather [hbm4b:s5+s3], $0x80, v3, vm0, $0xb8;
	[tilespmem:$0x1C000] =	vst v63  }
0x1fa: {  	_ =	swait.ge [sflag:s10], $0xC000  }
0x1fb: {  	[sflag:s10] =	ssyncset.done $0x0  }
0x1fc: {  	s4 =	rddreg [dreg:$0x8];
	[sflag:s10] =	ssyncadd.s32 $0xFFFF4000  }
0x1fd: {  	[hbm4b:s4+s3] =	stream.linear.scatter [tilespmem:s15], [sflag:$0x3], $0xC000, $0x38;
	[tilespmem:$0x1C000] =	vst v63  }
0x1fe: {  	_ =	swait.ge [sflag:s12], $0xC000  }
0x1ff: {  	[sflag:s12] =	ssyncset.done $0x0  }
0x200: {  	[sflag:s12] =	ssyncadd.s32 $0xFFFF4000  }
0x201: {  	v3 =	vld [tilespmem:$0x3F60];
	_ =	sdelay $0x4  }
0x202: {  	v4 =	vshll.u32 v3, $0x2  }
0x203: {  	v3 =	vand.u32 $0x7, v3;
	v4 =	vand.u32 $0xFFFFFFE0, v4  }
0x204: {  	v3 =	vor.u32 v3, v4  }
0x205: {  	v4 =	vperm.xlane v3, v0;
	_ =	sdelay $0x1  }
0x206: {  	v4 =	vadd.s32 v1, v4;
	_ =	sdelay $0x1  }
0x207: {  	v3 =	vperm.xlane v3, v2;
	_ =	sdelay $0x1  }
0x208: {  	v3 =	vadd.s32 v1, v3  }
0x209: {  	[tilespmem:s11], [sflag:$0x2] =	stream.indirect_vreg.gather [hbm4b:s2+s3], $0x80, v4, vm0, $0xb8;
	[tilespmem:$0x1C000] =	vst v63  }
0x20a: {  	s1 =	simm.s32 $0x10800  }
0x20b: {  	[tilespmem:s1], [sflag:$0x2] =	stream.indirect_vreg.gather [hbm4b:s5+s3], $0x80, v4, vm0, $0xb8;
	[tilespmem:$0x1C000] =	vst v63  }
0x20c: {  	s9 =	simm.s32 $0x11000  }
0x20d: {  	[tilespmem:s9], [sflag:$0x2] =	stream.indirect_vreg.gather [hbm4b:s2+s3], $0x80, v3, vm0, $0xb8;
	[tilespmem:$0x1C000] =	vst v63  }
0x20e: {  	s13 =	simm.s32 $0x11800  }
0x20f: {  	[tilespmem:s13], [sflag:$0x2] =	stream.indirect_vreg.gather [hbm4b:s5+s3], $0x80, v3, vm0, $0xb8;
	[tilespmem:$0x1C000] =	vst v63  }
0x210: {  	v3 =	vld [tilespmem:$0x3F70];
	_ =	sdelay $0x4  }
0x211: {  	v55 =	vshll.u32 v3, $0x2  }
0x212: {  	v3 =	vand.u32 $0x7, v3;
	v4 =	vand.u32 $0xFFFFFFE0, v55  }
0x213: {  	v3 =	vor.u32 v3, v4  }
0x214: {  	v4 =	vperm.xlane v3, v0;
	_ =	sdelay $0x1  }
0x215: {  	v4 =	vadd.s32 v1, v4;
	_ =	sdelay $0x1  }
0x216: {  	v3 =	vperm.xlane v3, v2;
	_ =	sdelay $0x1  }
0x217: {  	s14 =	simm.s32 $0x12000;
	v3 =	vadd.s32 v1, v3  }
0x218: {  	[tilespmem:s14], [sflag:$0x2] =	stream.indirect_vreg.gather [hbm4b:s2+s3], $0x80, v4, vm0, $0xb8;
	[tilespmem:$0x1C000] =	vst v63  }
0x219: {  	s24 =	simm.s32 $0x12800  }
0x21a: {  	[tilespmem:s24], [sflag:$0x2] =	stream.indirect_vreg.gather [hbm4b:s5+s3], $0x80, v4, vm0, $0xb8;
	[tilespmem:$0x1C000] =	vst v63  }
0x21b: {  	s28 =	simm.s32 $0x13000  }
0x21c: {  	[tilespmem:s28], [sflag:$0x2] =	stream.indirect_vreg.gather [hbm4b:s2+s3], $0x80, v3, vm0, $0xb8;
	[tilespmem:$0x1C000] =	vst v63  }
0x21d: {  	s29 =	simm.s32 $0x13800  }
0x21e: {  	[tilespmem:s29], [sflag:$0x2] =	stream.indirect_vreg.gather [hbm4b:s5+s3], $0x80, v3, vm0, $0xb8;
	[tilespmem:$0x1C000] =	vst v63  }
0x21f: {  	v3 =	vld [tilespmem:$0x3F80];
	_ =	sdelay $0x4  }
0x220: {  	v56 =	vshll.u32 v3, $0x2  }
0x221: {  	v3 =	vand.u32 $0x7, v3;
	v4 =	vand.u32 $0xFFFFFFE0, v56  }
0x222: {  	v3 =	vor.u32 v3, v4  }
0x223: {  	v4 =	vperm.xlane v3, v0;
	_ =	sdelay $0x1  }
0x224: {  	v4 =	vadd.s32 v1, v4;
	_ =	sdelay $0x1  }
0x225: {  	v3 =	vperm.xlane v3, v2;
	_ =	sdelay $0x1  }
0x226: {  	s4 =	simm.s32 $0x14000;
	v3 =	vadd.s32 v1, v3  }
0x227: {  	[tilespmem:s4], [sflag:$0x2] =	stream.indirect_vreg.gather [hbm4b:s2+s3], $0x80, v4, vm0, $0xb8;
	[tilespmem:$0x1C000] =	vst v63  }
0x228: {  	s6 =	simm.s32 $0x14800  }
0x229: {  	[tilespmem:s6], [sflag:$0x2] =	stream.indirect_vreg.gather [hbm4b:s5+s3], $0x80, v4, vm0, $0xb8;
	[tilespmem:$0x1C000] =	vst v63  }
0x22a: {  	s7 =	simm.s32 $0x15000  }
0x22b: {  	[tilespmem:s7], [sflag:$0x2] =	stream.indirect_vreg.gather [hbm4b:s2+s3], $0x80, v3, vm0, $0xb8;
	[tilespmem:$0x1C000] =	vst v63  }
0x22c: {  	s8 =	simm.s32 $0x15800  }
0x22d: {  	[tilespmem:s8], [sflag:$0x2] =	stream.indirect_vreg.gather [hbm4b:s5+s3], $0x80, v3, vm0, $0xb8;
	[tilespmem:$0x1C000] =	vst v63  }
0x22e: {  	v3 =	vld [tilespmem:$0x3F90];
	_ =	sdelay $0x4  }
0x22f: {  	v57 =	vshll.u32 v3, $0x2  }
0x230: {  	v3 =	vand.u32 $0x7, v3;
	v4 =	vand.u32 $0xFFFFFFE0, v57  }
0x231: {  	v3 =	vor.u32 v3, v4  }
0x232: {  	v4 =	vperm.xlane v3, v0;
	_ =	sdelay $0x1  }
0x233: {  	v4 =	vadd.s32 v1, v4;
	_ =	sdelay $0x1  }
0x234: {  	v3 =	vperm.xlane v3, v2;
	_ =	sdelay $0x1  }
0x235: {  	s9 =	simm.s32 $0x16000;
	v3 =	vadd.s32 v1, v3  }
0x236: {  	[tilespmem:s9], [sflag:$0x2] =	stream.indirect_vreg.gather [hbm4b:s2+s3], $0x80, v4, vm0, $0xb8;
	[tilespmem:$0x1C000] =	vst v63  }
0x237: {  	s13 =	simm.s32 $0x16800  }
0x238: {  	[tilespmem:s13], [sflag:$0x2] =	stream.indirect_vreg.gather [hbm4b:s5+s3], $0x80, v4, vm0, $0xb8;
	[tilespmem:$0x1C000] =	vst v63  }
0x239: {  	s14 =	simm.s32 $0x17000  }
0x23a: {  	[tilespmem:s14], [sflag:$0x2] =	stream.indirect_vreg.gather [hbm4b:s2+s3], $0x80, v3, vm0, $0xb8;
	[tilespmem:$0x1C000] =	vst v63  }
0x23b: {  	s24 =	simm.s32 $0x17800  }
0x23c: {  	[tilespmem:s24], [sflag:$0x2] =	stream.indirect_vreg.gather [hbm4b:s5+s3], $0x80, v3, vm0, $0xb8;
	[tilespmem:$0x1C000] =	vst v63  }
0x23d: {  	v3 =	vld [tilespmem:$0x3FA0];
	_ =	sdelay $0x4  }
0x23e: {  	v58 =	vshll.u32 v3, $0x2  }
0x23f: {  	v3 =	vand.u32 $0x7, v3;
	v4 =	vand.u32 $0xFFFFFFE0, v58  }
0x240: {  	v3 =	vor.u32 v3, v4  }
0x241: {  	v4 =	vperm.xlane v3, v0;
	_ =	sdelay $0x1  }
0x242: {  	v4 =	vadd.s32 v1, v4;
	_ =	sdelay $0x1  }
0x243: {  	v3 =	vperm.xlane v3, v2;
	_ =	sdelay $0x1  }
0x244: {  	s28 =	simm.s32 $0x18000;
	v3 =	vadd.s32 v1, v3  }
0x245: {  	[tilespmem:s28], [sflag:$0x2] =	stream.indirect_vreg.gather [hbm4b:s2+s3], $0x80, v4, vm0, $0xb8;
	[tilespmem:$0x1C000] =	vst v63  }
0x246: {  	s29 =	simm.s32 $0x18800  }
0x247: {  	[tilespmem:s29], [sflag:$0x2] =	stream.indirect_vreg.gather [hbm4b:s5+s3], $0x80, v4, vm0, $0xb8;
	[tilespmem:$0x1C000] =	vst v63  }
0x248: {  	s4 =	simm.s32 $0x19000  }
0x249: {  	[tilespmem:s4], [sflag:$0x2] =	stream.indirect_vreg.gather [hbm4b:s2+s3], $0x80, v3, vm0, $0xb8;
	[tilespmem:$0x1C000] =	vst v63  }
0x24a: {  	s6 =	simm.s32 $0x19800  }
0x24b: {  	[tilespmem:s6], [sflag:$0x2] =	stream.indirect_vreg.gather [hbm4b:s5+s3], $0x80, v3, vm0, $0xb8;
	[tilespmem:$0x1C000] =	vst v63  }
0x24c: {  	v3 =	vld [tilespmem:$0x3FB0];
	_ =	sdelay $0x4  }
0x24d: {  	v59 =	vshll.u32 v3, $0x2  }
0x24e: {  	v3 =	vand.u32 $0x7, v3;
	v4 =	vand.u32 $0xFFFFFFE0, v59  }
0x24f: {  	v3 =	vor.u32 v3, v4  }
0x250: {  	v4 =	vperm.xlane v3, v0;
	_ =	sdelay $0x1  }
0x251: {  	v4 =	vadd.s32 v1, v4;
	_ =	sdelay $0x1  }
0x252: {  	v3 =	vperm.xlane v3, v2;
	_ =	sdelay $0x1  }
0x253: {  	s7 =	simm.s32 $0x1A000;
	v3 =	vadd.s32 v1, v3  }
0x254: {  	[tilespmem:s7], [sflag:$0x2] =	stream.indirect_vreg.gather [hbm4b:s2+s3], $0x80, v4, vm0, $0xb8;
	[tilespmem:$0x1C000] =	vst v63  }
0x255: {  	s8 =	simm.s32 $0x1A800  }
0x256: {  	[tilespmem:s8], [sflag:$0x2] =	stream.indirect_vreg.gather [hbm4b:s5+s3], $0x80, v4, vm0, $0xb8;
	[tilespmem:$0x1C000] =	vst v63  }
0x257: {  	s9 =	simm.s32 $0x1B000  }
0x258: {  	[tilespmem:s9], [sflag:$0x2] =	stream.indirect_vreg.gather [hbm4b:s2+s3], $0x80, v3, vm0, $0xb8;
	[tilespmem:$0x1C000] =	vst v63  }
0x259: {  	s13 =	simm.s32 $0x1B800  }
0x25a: {  	[tilespmem:s13], [sflag:$0x2] =	stream.indirect_vreg.gather [hbm4b:s5+s3], $0x80, v3, vm0, $0xb8;
	[tilespmem:$0x1C000] =	vst v63  }
0x25b: {  	_ =	swait.ge [sflag:s0], $0xC000  }
0x25c: {  	[sflag:s0] =	ssyncset.done $0x0  }
0x25d: {  	s14 =	rddreg [dreg:$0x9];
	[sflag:s0] =	ssyncadd.s32 $0xFFFF4000  }
0x25e: {  	[hbm4b:s14+s3] =	stream.linear.scatter [tilespmem:s11], [sflag:$0x4], $0xC000, $0x38;
	[tilespmem:$0x1C000] =	vst v63  }
0x25f: {  	_ =	swait.ge [sflag:s26], $0xC000  }
0x260: {  	[sflag:s26] =	ssyncset.done $0x0  }
0x261: {  	[sflag:s26] =	ssyncadd.s32 $0xFFFF4000  }
0x262: {  	v3 =	vld [tilespmem:$0x3FC0];
	_ =	sdelay $0x4  }
0x263: {  	v60 =	vshll.u32 v3, $0x2  }
0x264: {  	v3 =	vand.u32 $0x7, v3;
	v4 =	vand.u32 $0xFFFFFFE0, v60  }
0x265: {  	v3 =	vor.u32 v3, v4  }
0x266: {  	v4 =	vperm.xlane v3, v0;
	_ =	sdelay $0x1  }
0x267: {  	v4 =	vadd.s32 v1, v4;
	_ =	sdelay $0x1  }
0x268: {  	v3 =	vperm.xlane v3, v2;
	_ =	sdelay $0x1  }
0x269: {  	v3 =	vadd.s32 v1, v3  }
0x26a: {  	[tilespmem:s15], [sflag:$0x1] =	stream.indirect_vreg.gather [hbm4b:s2+s3], $0x80, v4, vm0, $0xb8;
	[tilespmem:$0x1C000] =	vst v63  }
0x26b: {  	_ = 	snop  }
0x26c: {  	[tilespmem:s30], [sflag:$0x1] =	stream.indirect_vreg.gather [hbm4b:s5+s3], $0x80, v4, vm0, $0xb8;
	[tilespmem:$0x1C000] =	vst v63  }
0x26d: {  	_ = 	snop  }
0x26e: {  	[tilespmem:s16], [sflag:$0x1] =	stream.indirect_vreg.gather [hbm4b:s2+s3], $0x80, v3, vm0, $0xb8;
	[tilespmem:$0x1C000] =	vst v63  }
0x26f: {  	_ = 	snop  }
0x270: {  	[tilespmem:s31], [sflag:$0x1] =	stream.indirect_vreg.gather [hbm4b:s5+s3], $0x80, v3, vm0, $0xb8;
	[tilespmem:$0x1C000] =	vst v63  }
0x271: {  	v3 =	vld [tilespmem:$0x3FD0];
	_ =	sdelay $0x4  }
0x272: {  	v61 =	vshll.u32 v3, $0x2  }
0x273: {  	v3 =	vand.u32 $0x7, v3;
	v4 =	vand.u32 $0xFFFFFFE0, v61  }
0x274: {  	v3 =	vor.u32 v3, v4  }
0x275: {  	v4 =	vperm.xlane v3, v0;
	_ =	sdelay $0x1  }
0x276: {  	v4 =	vadd.s32 v1, v4;
	_ =	sdelay $0x1  }
0x277: {  	v3 =	vperm.xlane v3, v2;
	_ =	sdelay $0x1  }
0x278: {  	s16 =	simm.s32 $0x6000;
	v3 =	vadd.s32 v1, v3  }
0x279: {  	[tilespmem:s16], [sflag:$0x1] =	stream.indirect_vreg.gather [hbm4b:s2+s3], $0x80, v4, vm0, $0xb8;
	[tilespmem:$0x1C000] =	vst v63  }
0x27a: {  	_ = 	snop  }
0x27b: {  	[tilespmem:s17], [sflag:$0x1] =	stream.indirect_vreg.gather [hbm4b:s5+s3], $0x80, v4, vm0, $0xb8;
	[tilespmem:$0x1C000] =	vst v63  }
0x27c: {  	s17 =	simm.s32 $0x7000  }
0x27d: {  	[tilespmem:s17], [sflag:$0x1] =	stream.indirect_vreg.gather [hbm4b:s2+s3], $0x80, v3, vm0, $0xb8;
	[tilespmem:$0x1C000] =	vst v63  }
0x27e: {  	_ = 	snop  }
0x27f: {  	[tilespmem:s18], [sflag:$0x1] =	stream.indirect_vreg.gather [hbm4b:s5+s3], $0x80, v3, vm0, $0xb8;
	[tilespmem:$0x1C000] =	vst v63  }
0x280: {  	v3 =	vld [tilespmem:$0x3FE0];
	_ =	sdelay $0x4  }
0x281: {  	v62 =	vshll.u32 v3, $0x2  }
0x282: {  	v3 =	vand.u32 $0x7, v3;
	v4 =	vand.u32 $0xFFFFFFE0, v62  }
0x283: {  	v3 =	vor.u32 v3, v4  }
0x284: {  	v4 =	vperm.xlane v3, v0;
	_ =	sdelay $0x1  }
0x285: {  	v4 =	vadd.s32 v1, v4;
	_ =	sdelay $0x1  }
0x286: {  	v3 =	vperm.xlane v3, v2;
	_ =	sdelay $0x1  }
0x287: {  	s18 =	simm.s32 $0x8000;
	v3 =	vadd.s32 v1, v3  }
0x288: {  	[tilespmem:s18], [sflag:$0x1] =	stream.indirect_vreg.gather [hbm4b:s2+s3], $0x80, v4, vm0, $0xb8;
	[tilespmem:$0x1C000] =	vst v63  }
0x289: {  	_ = 	snop  }
0x28a: {  	[tilespmem:s19], [sflag:$0x1] =	stream.indirect_vreg.gather [hbm4b:s5+s3], $0x80, v4, vm0, $0xb8;
	[tilespmem:$0x1C000] =	vst v63  }
0x28b: {  	_ = 	snop  }
0x28c: {  	[tilespmem:s20], [sflag:$0x1] =	stream.indirect_vreg.gather [hbm4b:s2+s3], $0x80, v3, vm0, $0xb8;
	[tilespmem:$0x1C000] =	vst v63  }
0x28d: {  	_ = 	snop  }
0x28e: {  	[tilespmem:s21], [sflag:$0x1] =	stream.indirect_vreg.gather [hbm4b:s5+s3], $0x80, v3, vm0, $0xb8;
	[tilespmem:$0x1C000] =	vst v63  }
0x28f: {  	v3 =	vld [tilespmem:$0x3FF0];
	_ =	sdelay $0x4  }
0x290: {  	v63 =	vshll.u32 v3, $0x2  }
0x291: {  	v3 =	vand.u32 $0x7, v3;
	v4 =	vand.u32 $0xFFFFFFE0, v63  }
0x292: {  	v3 =	vor.u32 v3, v4  }
0x293: {  	v4 =	vperm.xlane v3, v0;
	_ =	sdelay $0x1  }
0x294: {  	v4 =	vadd.s32 v1, v4;
	_ =	sdelay $0x1  }
0x295: {  	v3 =	vperm.xlane v3, v2;
	_ =	sdelay $0x1  }
0x296: {  	s21 =	simm.s32 $0xA000;
	v3 =	vadd.s32 v1, v3  }
0x297: {  	[tilespmem:s21], [sflag:$0x1] =	stream.indirect_vreg.gather [hbm4b:s2+s3], $0x80, v4, vm0, $0xb8;
	[tilespmem:$0x1C000] =	vst v63  }
0x298: {  	_ = 	snop  }
0x299: {  	[tilespmem:s22], [sflag:$0x1] =	stream.indirect_vreg.gather [hbm4b:s5+s3], $0x80, v4, vm0, $0xb8;
	[tilespmem:$0x1C000] =	vst v63  }
0x29a: {  	s24 =	simm.s32 $0xB000  }
0x29b: {  	[tilespmem:s24], [sflag:$0x1] =	stream.indirect_vreg.gather [hbm4b:s2+s3], $0x80, v3, vm0, $0xb8;
	[tilespmem:$0x1C000] =	vst v63  }
0x29c: {  	_ = 	snop  }
0x29d: {  	[tilespmem:s23], [sflag:$0x1] =	stream.indirect_vreg.gather [hbm4b:s5+s3], $0x80, v3, vm0, $0xb8;
	[tilespmem:$0x1C000] =	vst v63  }
0x29e: {  	_ =	swait.ge [sflag:s10], $0x8000  }
0x29f: {  	[sflag:s10] =	ssyncset.done $0x0  }
0x2a0: {  	s28 =	rddreg [dreg:$0xa];
	[sflag:s10] =	ssyncadd.s32 $0xFFFF8000  }
0x2a1: {  	[hbm4b:s28+s3] =	stream.linear.scatter [tilespmem:s15], [sflag:$0x3], $0x8000, $0x38;
	[tilespmem:$0x1C000] =	vst v63  }
0x2a2: {  	_ =	swait.ge [sflag:s12], $0xC000  }
0x2a3: {  	[sflag:s12] =	ssyncset.done $0x0  }
0x2a4: {  	[sflag:s12] =	ssyncadd.s32 $0xFFFF4000  }
0x2a5: {  	_ =	swait.ge [sflag:s26], $0x8000  }
0x2a6: {  	s13 =	rddreg [dreg:$0xc]  }
0x2a7: {  	s29 =	rddreg [dreg:$0xb];
	s13 =	sadd.s32 $0x1, s13  }
0x2a8: {  	p0 =	sne.s32 s13, s29  }
.Ltmp1:
0x2a9: {  	_ = 	snop;
	(pc) =	sbr.rel @p0 .LBB2_1-.Ltmp1, $4  }
0x2aa: {  	s1 =	simm.s32 $0xC000  }
0x2ab: {  	s6 =	simm.s32 $0xC800;
	s7 =	simm.s32 $0xD000;
	s8 =	simm.s32 $0xD800  }
0x2ac: {  	s9 =	simm.s32 $0xE000;
	s14 =	simm.s32 $0xE800;
	[sflag:s26] =	ssyncset.done $0x0  }
0x2ad: {  	s16 =	simm.s32 $0xF000;
	s17 =	simm.s32 $0xF800;
	[sflag:s26] =	ssyncadd.s32 $0xFFFF8000  }
0x2ae: {  	_ =	sfence.sel $0x180000  }
0x2af: {  	[bflag:$0x0] =	sbarrier.arrive $0xFFFF  }
0x2b0: {  	_ =	strace $0x90000047  }
0x2b1: {  	s0 =	stileid.u32;
	[bflag:$0x2] =	sbarrier.arrive $0xFFFF  }
0x2b2: {  	p0 =	sne.s32 s0, $0x0;
	s0 =	rddreg [dreg:$0x3]  }
0x2b3: {  	s0 =	sadd.s32 @!p0 $0x100000, s0  }
0x2b4: {  	[sflag:s0] =	ssyncadd.tile.s32 @!p0 $0x1;
	_ =	shalt  }
.Lfunc_end2:
_tile_overlayer_lowered:
.L_overlay_start_2:
0x2b5: {  	(tag) =	ssettag $0x2  }
0x2b6: {  	s0 =	rddreg [dreg:$0x0];
	s2 =	stileid.u32  }
0x2b7: {  	s1 =	rddreg [dreg:$0x1];
	p0 =	sne.s32 s2, $0x0  }
0x2b8: {  	s3 =	rddreg [dreg:$0x2];
	[bflag:$0x3] =	sbarrier.arrive $0xFFFF;
	s2 =	simm.s32 @!p0 $0x1C05  }
0x2b9: {  	[timem:s3], [sflag:s2] =	dma.local @!p0 [hbm:s0], s1  }
0x2ba: {  	s0 =	simm.s32 @!p0 $0x5  }
0x2bb: {  	_ =	swait.ge @!p0 [sflag:s0], s1  }
0x2bc: {  	s1 =	ssub.s32 @!p0 $0x0, s1;
	[sflag:s0] =	ssyncset.done @!p0 $0x0  }
0x2bd: {  	[sflag:s0] =	ssyncadd.s32 @!p0 s1  }
0x2be: {  	[bflag:$0x3] =	sbarrier.arrive $0xFFFF  }
0x2bf: {  	_ =	shalt  }

</sc_bundles>
